<compile_context>
chip_gen: v7x
topology: tpu7x:2x2x1
jax: 0.10.2.dev20260603
libtpu: 0.0.44.dev20260713+nightly
codegen_flags: <defaults>
</compile_context>

<pallas_src>
import functools

import jax
import jax.numpy as jnp
from jax import lax
from jax.experimental import pallas as pl
from jax.experimental.pallas import tpu as pltpu
from jax.experimental.pallas import tpu_sc as plsc

NC = 2
NS = 16
NW = NC * NS
CH = 128
G = 64


def _sc_degree(dsts3, consts16, acc_rows):
    nchunk = dsts3.shape[1]
    rpt = acc_rows // NS
    zrep = rpt // CH
    mesh = plsc.VectorSubcoreMesh(core_axis_name="c", subcore_axis_name="s")

    @functools.partial(
        pl.kernel,
        out_type=jax.ShapeDtypeStruct((NC, acc_rows, 16), jnp.float32),
        mesh=mesh,
        scratch_types=[
            pltpu.VMEM((nchunk, CH), jnp.int32),
            pltpu.VMEM((CH, 16), jnp.float32),
            pltpu.VMEM((CH, 16), jnp.float32),
            pltpu.VMEM_SHARED((acc_rows, 16), jnp.float32),
        ],
    )
    def deg_kernel(dsts_hbm, consts_hbm, out_hbm, idx_d, zv, ov, acc):
        c = lax.axis_index("c")
        s = lax.axis_index("s")
        w = s * NC + c
        pltpu.sync_copy(dsts_hbm.at[w], idx_d)
        pltpu.sync_copy(consts_hbm.at[0], zv)
        pltpu.sync_copy(consts_hbm.at[1], ov)
        base = s * rpt
        for r in range(zrep):
            pltpu.sync_copy(zv, acc.at[pl.ds(base + r * CH, CH)])
        plsc.subcore_barrier()

        def body(j, carry):
            pltpu.sync_copy(ov, acc.at[idx_d.at[j]], add=True)
            return carry

        lax.fori_loop(0, nchunk, body, 0)
        plsc.subcore_barrier()
        pltpu.sync_copy(acc.at[pl.ds(base, rpt)],
                        out_hbm.at[c, pl.ds(base, rpt)])

    return deg_kernel(dsts3, consts16)


def _sc_propagate(y, srcs3, dsts3, zblk, acc_rows):
    d = y.shape[1]
    nchunk = srcs3.shape[1]
    rpt = acc_rows // NS
    zrep = rpt // CH
    mesh = plsc.VectorSubcoreMesh(core_axis_name="c", subcore_axis_name="s")

    @functools.partial(
        pl.kernel,
        out_type=jax.ShapeDtypeStruct((NC, acc_rows, d), jnp.float32),
        mesh=mesh,
        scratch_types=[
            pltpu.VMEM((nchunk, CH), jnp.int32),
            pltpu.VMEM((nchunk, CH), jnp.int32),
            pltpu.VMEM((CH, d), jnp.float32),
            pltpu.VMEM_SHARED((acc_rows, d), jnp.float32),
            pltpu.SemaphoreType.DMA,
        ],
    )
    def prop_kernel(y_hbm, srcs_hbm, dsts_hbm, zblk_hbm, out_hbm,
                    idx_s, idx_d, rows, acc, sem):
        c = lax.axis_index("c")
        s = lax.axis_index("s")
        w = s * NC + c
        pltpu.sync_copy(srcs_hbm.at[w], idx_s)
        pltpu.sync_copy(dsts_hbm.at[w], idx_d)
        pltpu.sync_copy(zblk_hbm, rows)
        base = s * rpt
        for r in range(zrep):
            pltpu.sync_copy(rows, acc.at[pl.ds(base + r * CH, CH)])
        plsc.subcore_barrier()

        def body(j, carry):
            pltpu.async_copy(y_hbm.at[idx_s.at[j]], rows, sem).wait()
            pltpu.sync_copy(rows, acc.at[idx_d.at[j]], add=True)
            return carry

        lax.fori_loop(0, nchunk, body, 0)
        plsc.subcore_barrier()
        pltpu.sync_copy(acc.at[pl.ds(base, rpt)],
                        out_hbm.at[c, pl.ds(base, rpt)])

    return prop_kernel(y, srcs3, dsts3, zblk)


def _tc_prep(deg2, x, W1, Wr1):
    n = x.shape[0]
    h = W1.shape[1]

    def body(deg_ref, x_ref, w_ref, wr_ref, y_ref):
        deg = deg_ref[0, :n, 0:1] + deg_ref[1, :n, 0:1] + 1.0
        dis = lax.rsqrt(deg)
        w = 0.95 * w_ref[...] + 0.05 * wr_ref[...]
        y_ref[...] = jnp.dot(x_ref[...], w,
                             preferred_element_type=jnp.float32) * dis

    return pl.pallas_call(
        body, out_shape=jax.ShapeDtypeStruct((n, h), jnp.float32),
    )(deg2, x, W1, Wr1)


def _tc_mid(acc2, y_prev, deg2, bc, br, Wc, Wr):
    n, h = y_prev.shape

    def body(acc_ref, y_ref, deg_ref, bc_ref, br_ref, wc_ref, wr_ref, o_ref):
        deg = deg_ref[0, :n, 0:1] + deg_ref[1, :n, 0:1] + 1.0
        dis = lax.rsqrt(deg)
        b = 0.95 * bc_ref[...] + 0.05 * br_ref[...]
        tot = acc_ref[0, :n, :] + acc_ref[1, :n, :] + y_ref[...]
        hh = jnp.maximum(tot * dis + b, 0.0)
        w = 0.95 * wc_ref[...] + 0.05 * wr_ref[...]
        o_ref[...] = jnp.dot(hh, w, preferred_element_type=jnp.float32) * dis

    return pl.pallas_call(
        body, out_shape=jax.ShapeDtypeStruct((n, h), jnp.float32),
    )(acc2, y_prev, deg2, bc, br, Wc, Wr)


def _tc_final(acc2, y3, deg2, bc, br, batch2d, Wl1, bl1, Wl2, bl2):
    n, h = y3.shape
    c_out = Wl2.shape[1]

    def body(acc_ref, y_ref, deg_ref, bc_ref, br_ref, bat_ref,
             wl1_ref, bl1_ref, wl2_ref, bl2_ref, o_ref):
        deg = deg_ref[0, :n, 0:1] + deg_ref[1, :n, 0:1] + 1.0
        dis = lax.rsqrt(deg)
        b = 0.95 * bc_ref[...] + 0.05 * br_ref[...]
        tot = acc_ref[0, :n, :] + acc_ref[1, :n, :] + y_ref[...]
        hh = jnp.maximum(tot * dis + b, 0.0)
        gid = lax.broadcasted_iota(jnp.int32, (G, n), 0)
        onehot = jnp.where(gid == jnp.broadcast_to(bat_ref[...], (G, n)),
                           1.0, 0.0)
        sums = jnp.dot(onehot, hh, preferred_element_type=jnp.float32)
        counts = jnp.sum(onehot, axis=1, keepdims=True)
        pooled = sums / jnp.maximum(counts, 1.0)
        z = jnp.maximum(
            jnp.dot(pooled, wl1_ref[...],
                    preferred_element_type=jnp.float32) + bl1_ref[...], 0.0)
        z = jnp.dot(z, wl2_ref[...],
                    preferred_element_type=jnp.float32) + bl2_ref[...]
        m = jnp.max(z, axis=1, keepdims=True)
        lse = jnp.log(jnp.sum(jnp.exp(z - m), axis=1, keepdims=True)) + m
        o_ref[...] = z - lse

    return pl.pallas_call(
        body, out_shape=jax.ShapeDtypeStruct((G, c_out), jnp.float32),
    )(acc2, y3, deg2, bc, br, batch2d, Wl1, bl1, Wl2, bl2)


def kernel(x, edge_index, batch, W1, b1, Wr1, br1, Wc0, bc0, Wc1, bc1,
           Wr, br, Wl1, bl1, Wl2, bl2):
    n, d = x.shape
    e = edge_index.shape[1]
    h = W1.shape[1]

    rpt = -(-n // (NS * CH)) * CH
    acc_rows = NS * rpt
    nchunk = -(-e // (NW * CH))
    nchunk += nchunk % 2
    e_pad = NW * nchunk * CH - e

    srcs = edge_index[0]
    dsts = edge_index[1]
    if e_pad:
        srcs = jnp.concatenate([srcs, jnp.zeros((e_pad,), jnp.int32)])
        dsts = jnp.concatenate([dsts, jnp.full((e_pad,), n, jnp.int32)])
    srcs3 = srcs.reshape(NW, nchunk, CH)
    dsts3 = dsts.reshape(NW, nchunk, CH)

    zblk = jnp.zeros((CH, d), jnp.float32)
    consts16 = jnp.stack([jnp.zeros((CH, 16), jnp.float32),
                          jnp.ones((CH, 16), jnp.float32)])
    batch2d = batch.reshape(1, n)
    b1r, br1r = b1.reshape(1, h), br1.reshape(1, h)
    bc0r, bc1r, brr = bc0.reshape(1, h), bc1.reshape(1, h), br.reshape(1, h)
    bl1r = bl1.reshape(1, h)
    bl2r = bl2.reshape(1, Wl2.shape[1])

    deg2 = _sc_degree(dsts3, consts16, acc_rows)
    y1 = _tc_prep(deg2, x, W1, Wr1)
    acc = _sc_propagate(y1, srcs3, dsts3, zblk, acc_rows)
    y2 = _tc_mid(acc, y1, deg2, b1r, br1r, Wc0, Wr)
    acc = _sc_propagate(y2, srcs3, dsts3, zblk, acc_rows)
    y3 = _tc_mid(acc, y2, deg2, bc0r, brr, Wc1, Wr)
    acc = _sc_propagate(y3, srcs3, dsts3, zblk, acc_rows)
    return _tc_final(acc, y3, deg2, bc1r, brr, batch2d, Wl1, bl1r, Wl2, bl2r)

# --- scband reference (transcript-rebuilt; emitter-appended) ---
"""Pipeline reference for scband-gcn-high-58437325029846 (READ-ONLY COPY).

The authoritative reference and input builder live on the scoring server;
editing this copy changes nothing except your own understanding.
"""

import jax, jax.numpy as jnp
import numpy as np

N = 10000
E = 320000
D = 128
H = 128
C = 10
G = 64


def setup_inputs(seed: int = 0) -> dict:
    key = jax.random.key(seed)
    ks = jax.random.split(key, 20)
    x = jax.random.normal(ks[0], (N, D), dtype=jnp.float32)
    edge_index = jax.random.randint(ks[1], (2, E), 0, N, dtype=jnp.int32)
    batch = jnp.sort(jax.random.randint(ks[2], (N,), 0, G, dtype=jnp.int32))
    s_in = 1.0 / np.sqrt(D)
    s_h = 1.0 / np.sqrt(H)
    W1 = jax.random.normal(ks[3], (D, H), jnp.float32) * s_in
    b1 = jnp.zeros((H,), jnp.float32)
    Wr1 = jax.random.normal(ks[4], (D, H), jnp.float32) * s_in
    br1 = jnp.zeros((H,), jnp.float32)
    Wc0 = jax.random.normal(ks[5], (H, H), jnp.float32) * s_h
    bc0 = jnp.zeros((H,), jnp.float32)
    Wc1 = jax.random.normal(ks[6], (H, H), jnp.float32) * s_h
    bc1 = jnp.zeros((H,), jnp.float32)
    Wr = jax.random.normal(ks[7], (H, H), jnp.float32) * s_h
    br = jnp.zeros((H,), jnp.float32)
    Wl1 = jax.random.normal(ks[8], (H, H), jnp.float32) * s_h
    bl1 = jnp.zeros((H,), jnp.float32)
    Wl2 = jax.random.normal(ks[9], (H, C), jnp.float32) * s_h
    bl2 = jnp.zeros((C,), jnp.float32)
    return {"x": x, "edge_index": edge_index, "batch": batch,
            "W1": W1, "b1": b1, "Wr1": Wr1, "br1": br1,
            "Wc0": Wc0, "bc0": bc0, "Wc1": Wc1, "bc1": bc1,
            "Wr": Wr, "br": br, "Wl1": Wl1, "bl1": bl1,
            "Wl2": Wl2, "bl2": bl2}


def _gcn_conv(x, src, dst, deg_inv_sqrt, W, b):
    # PyG GCNConv: x' = D^{-1/2} (A + I) D^{-1/2} X W + b
    h = x @ W
    norm = deg_inv_sqrt[src] * deg_inv_sqrt[dst]
    msg = h[src] * norm[:, None]
    out = jax.ops.segment_sum(msg, dst, num_segments=N)
    return out + b


def reference(x, edge_index, batch, W1, b1, Wr1, br1, Wc0, bc0, Wc1, bc1, Wr, br, Wl1, bl1, Wl2, bl2):
    # add self loops once
    loop = jnp.arange(N, dtype=edge_index.dtype)
    src = jnp.concatenate([edge_index[0], loop])
    dst = jnp.concatenate([edge_index[1], loop])
    deg = jax.ops.segment_sum(jnp.ones_like(dst, dtype=jnp.float32), dst, num_segments=N)
    deg_inv_sqrt = jnp.where(deg > 0, 1.0 / jnp.sqrt(jnp.maximum(deg, 1e-12)), 0.0)

    conv_1 = _gcn_conv(x, src, dst, deg_inv_sqrt, W1, b1)
    random_1 = _gcn_conv(x, src, dst, deg_inv_sqrt, Wr1, br1)
    h = jax.nn.relu(0.95 * conv_1 + 0.05 * random_1)

    for Wc, bc in ((Wc0, bc0), (Wc1, bc1)):
        conv_ = _gcn_conv(h, src, dst, deg_inv_sqrt, Wc, bc)
        random_ = _gcn_conv(h, src, dst, deg_inv_sqrt, Wr, br)
        h = jax.nn.relu(0.95 * conv_ + 0.05 * random_)

    # global_mean_pool over batch assignments
    sums = jax.ops.segment_sum(h, batch, num_segments=G)
    counts = jax.ops.segment_sum(jnp.ones((N,), jnp.float32), batch, num_segments=G)
    pooled = sums / jnp.maximum(counts, 1.0)[:, None]

    z = jax.nn.relu(pooled @ Wl1 + bl1)
    # dropout is identity in eval mode
    z = z @ Wl2 + bl2
    return jax.nn.log_softmax(z, axis=-1)

if __name__ == "__main__":
    import jax
    _d = setup_inputs()
    print(jax.jit(kernel)(*tuple(_d.values())))

</pallas_src>

<mosaic_0001>
#map = affine_map<(d0, d1) -> (0, 0)>
#map1 = affine_map<(d0, d1) -> (0, 0, 0)>
module attributes {stable_mosaic.version = 14 : i64} {
  func.func @prop_kernel(%arg0: i32, %arg1: i32, %arg2: memref<10000x128xf32, #tpu.memory_space<hbm>>, %arg3: memref<32x80x128xi32, #tpu.memory_space<hbm>>, %arg4: memref<32x80x128xi32, #tpu.memory_space<hbm>>, %arg5: memref<128x128xf32, #tpu.memory_space<hbm>>, %arg6: memref<2x10240x128xf32, #tpu.memory_space<hbm>>, %arg7: memref<80x128xi32, #tpu.memory_space<vmem>>, %arg8: memref<80x128xi32, #tpu.memory_space<vmem>>, %arg9: memref<128x128xf32, #tpu.memory_space<vmem>>, %arg10: memref<10240x128xf32, #tpu.memory_space<vmem_shared>>, %arg11: memref<!tpu.dma_semaphore, #tpu.memory_space<semaphore_mem>>) attributes {dimension_semantics = [#tpu.dimension_semantics<core_parallel>, #tpu.dimension_semantics<subcore_parallel>], iteration_bounds = array<i64: 2, 16>, scalar_prefetch = 0 : i64, scratch_operands = 5 : i64, tpu.core_type = #tpu.core_type<sc_vector_subcore>, window_params = [{transform_indices = #map}, {transform_indices = #map1}, {transform_indices = #map1}, {transform_indices = #map}, {transform_indices = #map1}]} {
    %mul3A = arith.constant 2 : i32
    %mul3A_0 = arith.muli %arg1, %mul3A : i32
    %add3A = arith.addi %mul3A_0, %arg0 : i32
    "tpu.region"() ({
      %run_scoped3A = tpu.sem_alloc : memref<!tpu.dma_semaphore, #tpu.memory_space<semaphore_mem>>
      %dma_start3A = arith.constant 0 : i32
      %dma_start3A_19 = arith.constant 0 : i32
      %dma_start3A_20 = tpu.memref_slice %arg3[%add3A, %dma_start3A, %dma_start3A_19] : memref<32x80x128xi32, #tpu.memory_space<hbm>> -> memref<1x80x128xi32, #tpu.memory_space<hbm>>
      %dma_start3A_21 = tpu.memref_squeeze %dma_start3A_20 : memref<1x80x128xi32, #tpu.memory_space<hbm>> -> memref<80x128xi32, #tpu.memory_space<hbm>>
      %dma_start3A_22 = arith.constant 0 : i32
      %dma_start3A_23 = arith.constant 0 : i32
      %dma_start3A_24 = tpu.memref_slice %arg3[%add3A, %dma_start3A_22, %dma_start3A_23] : memref<32x80x128xi32, #tpu.memory_space<hbm>> -> memref<1x80x128xi32, #tpu.memory_space<hbm>>
      %dma_start3A_25 = tpu.memref_squeeze %dma_start3A_24 : memref<1x80x128xi32, #tpu.memory_space<hbm>> -> memref<80x128xi32, #tpu.memory_space<hbm>>
      tpu.enqueue_dma source(%dma_start3A_25 : memref<80x128xi32, #tpu.memory_space<hbm>>) target(%arg7 : memref<80x128xi32, #tpu.memory_space<vmem>>) target_semaphore(%run_scoped3A : memref<!tpu.dma_semaphore, #tpu.memory_space<semaphore_mem>>)
      %dma_wait3A = arith.constant 0 : i32
      %dma_wait3A_26 = arith.constant 0 : i32
      %dma_wait3A_27 = tpu.memref_slice %arg3[%add3A, %dma_wait3A, %dma_wait3A_26] : memref<32x80x128xi32, #tpu.memory_space<hbm>> -> memref<1x80x128xi32, #tpu.memory_space<hbm>>
      %dma_wait3A_28 = tpu.memref_squeeze %dma_wait3A_27 : memref<1x80x128xi32, #tpu.memory_space<hbm>> -> memref<80x128xi32, #tpu.memory_space<hbm>>
      %dma_wait3A_29 = arith.constant 0 : i32
      %dma_wait3A_30 = arith.constant 0 : i32
      %dma_wait3A_31 = tpu.memref_slice %arg3[%add3A, %dma_wait3A_29, %dma_wait3A_30] : memref<32x80x128xi32, #tpu.memory_space<hbm>> -> memref<1x80x128xi32, #tpu.memory_space<hbm>>
      %dma_wait3A_32 = tpu.memref_squeeze %dma_wait3A_31 : memref<1x80x128xi32, #tpu.memory_space<hbm>> -> memref<80x128xi32, #tpu.memory_space<hbm>>
      tpu.wait_dma2 semaphore(%run_scoped3A : memref<!tpu.dma_semaphore, #tpu.memory_space<semaphore_mem>>) src(%dma_wait3A_32 : memref<80x128xi32, #tpu.memory_space<hbm>>) dst(%arg7 : memref<80x128xi32, #tpu.memory_space<vmem>>)
      tpu.yield
    }) : () -> ()
    "tpu.region"() ({
      %run_scoped3A = tpu.sem_alloc : memref<!tpu.dma_semaphore, #tpu.memory_space<semaphore_mem>>
      %dma_start3A = arith.constant 0 : i32
      %dma_start3A_19 = arith.constant 0 : i32
      %dma_start3A_20 = tpu.memref_slice %arg4[%add3A, %dma_start3A, %dma_start3A_19] : memref<32x80x128xi32, #tpu.memory_space<hbm>> -> memref<1x80x128xi32, #tpu.memory_space<hbm>>
      %dma_start3A_21 = tpu.memref_squeeze %dma_start3A_20 : memref<1x80x128xi32, #tpu.memory_space<hbm>> -> memref<80x128xi32, #tpu.memory_space<hbm>>
      %dma_start3A_22 = arith.constant 0 : i32
      %dma_start3A_23 = arith.constant 0 : i32
      %dma_start3A_24 = tpu.memref_slice %arg4[%add3A, %dma_start3A_22, %dma_start3A_23] : memref<32x80x128xi32, #tpu.memory_space<hbm>> -> memref<1x80x128xi32, #tpu.memory_space<hbm>>
      %dma_start3A_25 = tpu.memref_squeeze %dma_start3A_24 : memref<1x80x128xi32, #tpu.memory_space<hbm>> -> memref<80x128xi32, #tpu.memory_space<hbm>>
      tpu.enqueue_dma source(%dma_start3A_25 : memref<80x128xi32, #tpu.memory_space<hbm>>) target(%arg8 : memref<80x128xi32, #tpu.memory_space<vmem>>) target_semaphore(%run_scoped3A : memref<!tpu.dma_semaphore, #tpu.memory_space<semaphore_mem>>)
      %dma_wait3A = arith.constant 0 : i32
      %dma_wait3A_26 = arith.constant 0 : i32
      %dma_wait3A_27 = tpu.memref_slice %arg4[%add3A, %dma_wait3A, %dma_wait3A_26] : memref<32x80x128xi32, #tpu.memory_space<hbm>> -> memref<1x80x128xi32, #tpu.memory_space<hbm>>
      %dma_wait3A_28 = tpu.memref_squeeze %dma_wait3A_27 : memref<1x80x128xi32, #tpu.memory_space<hbm>> -> memref<80x128xi32, #tpu.memory_space<hbm>>
      %dma_wait3A_29 = arith.constant 0 : i32
      %dma_wait3A_30 = arith.constant 0 : i32
      %dma_wait3A_31 = tpu.memref_slice %arg4[%add3A, %dma_wait3A_29, %dma_wait3A_30] : memref<32x80x128xi32, #tpu.memory_space<hbm>> -> memref<1x80x128xi32, #tpu.memory_space<hbm>>
      %dma_wait3A_32 = tpu.memref_squeeze %dma_wait3A_31 : memref<1x80x128xi32, #tpu.memory_space<hbm>> -> memref<80x128xi32, #tpu.memory_space<hbm>>
      tpu.wait_dma2 semaphore(%run_scoped3A : memref<!tpu.dma_semaphore, #tpu.memory_space<semaphore_mem>>) src(%dma_wait3A_32 : memref<80x128xi32, #tpu.memory_space<hbm>>) dst(%arg8 : memref<80x128xi32, #tpu.memory_space<vmem>>)
      tpu.yield
    }) : () -> ()
    "tpu.region"() ({
      %run_scoped3A = tpu.sem_alloc : memref<!tpu.dma_semaphore, #tpu.memory_space<semaphore_mem>>
      tpu.enqueue_dma source(%arg5 : memref<128x128xf32, #tpu.memory_space<hbm>>) target(%arg9 : memref<128x128xf32, #tpu.memory_space<vmem>>) target_semaphore(%run_scoped3A : memref<!tpu.dma_semaphore, #tpu.memory_space<semaphore_mem>>)
      tpu.wait_dma2 semaphore(%run_scoped3A : memref<!tpu.dma_semaphore, #tpu.memory_space<semaphore_mem>>) src(%arg5 : memref<128x128xf32, #tpu.memory_space<hbm>>) dst(%arg9 : memref<128x128xf32, #tpu.memory_space<vmem>>)
      tpu.yield
    }) : () -> ()
    %mul3A_1 = arith.constant 640 : i32
    %mul3A_2 = arith.muli %arg1, %mul3A_1 : i32
    %add3A_3 = arith.constant 0 : i32
    %add3A_4 = arith.addi %mul3A_2, %add3A_3 : i32
    "tpu.region"() ({
      %run_scoped3A = tpu.sem_alloc : memref<!tpu.dma_semaphore, #tpu.memory_space<semaphore_mem>>
      %dma_start3A = arith.constant 0 : i32
      %dma_start3A_19 = tpu.memref_slice %arg10[%add3A_4, %dma_start3A] : memref<10240x128xf32, #tpu.memory_space<vmem_shared>> -> memref<128x128xf32, #tpu.memory_space<vmem_shared>>
      %dma_start3A_20 = arith.constant 0 : i32
      %dma_start3A_21 = tpu.memref_slice %arg10[%add3A_4, %dma_start3A_20] : memref<10240x128xf32, #tpu.memory_space<vmem_shared>> -> memref<128x128xf32, #tpu.memory_space<vmem_shared>>
      tpu.enqueue_dma source(%arg9 : memref<128x128xf32, #tpu.memory_space<vmem>>) target(%dma_start3A_21 : memref<128x128xf32, #tpu.memory_space<vmem_shared>>) target_semaphore(%run_scoped3A : memref<!tpu.dma_semaphore, #tpu.memory_space<semaphore_mem>>)
      %dma_wait3A = arith.constant 0 : i32
      %dma_wait3A_22 = tpu.memref_slice %arg10[%add3A_4, %dma_wait3A] : memref<10240x128xf32, #tpu.memory_space<vmem_shared>> -> memref<128x128xf32, #tpu.memory_space<vmem_shared>>
      %dma_wait3A_23 = arith.constant 0 : i32
      %dma_wait3A_24 = tpu.memref_slice %arg10[%add3A_4, %dma_wait3A_23] : memref<10240x128xf32, #tpu.memory_space<vmem_shared>> -> memref<128x128xf32, #tpu.memory_space<vmem_shared>>
      tpu.wait_dma2 semaphore(%run_scoped3A : memref<!tpu.dma_semaphore, #tpu.memory_space<semaphore_mem>>) src(%arg9 : memref<128x128xf32, #tpu.memory_space<vmem>>) dst(%dma_wait3A_24 : memref<128x128xf32, #tpu.memory_space<vmem_shared>>)
      tpu.yield
    }) : () -> ()
    %add3A_5 = arith.constant 128 : i32
    %add3A_6 = arith.addi %mul3A_2, %add3A_5 : i32
    "tpu.region"() ({
      %run_scoped3A = tpu.sem_alloc : memref<!tpu.dma_semaphore, #tpu.memory_space<semaphore_mem>>
      %dma_start3A = arith.constant 0 : i32
      %dma_start3A_19 = tpu.memref_slice %arg10[%add3A_6, %dma_start3A] : memref<10240x128xf32, #tpu.memory_space<vmem_shared>> -> memref<128x128xf32, #tpu.memory_space<vmem_shared>>
      %dma_start3A_20 = arith.constant 0 : i32
      %dma_start3A_21 = tpu.memref_slice %arg10[%add3A_6, %dma_start3A_20] : memref<10240x128xf32, #tpu.memory_space<vmem_shared>> -> memref<128x128xf32, #tpu.memory_space<vmem_shared>>
      tpu.enqueue_dma source(%arg9 : memref<128x128xf32, #tpu.memory_space<vmem>>) target(%dma_start3A_21 : memref<128x128xf32, #tpu.memory_space<vmem_shared>>) target_semaphore(%run_scoped3A : memref<!tpu.dma_semaphore, #tpu.memory_space<semaphore_mem>>)
      %dma_wait3A = arith.constant 0 : i32
      %dma_wait3A_22 = tpu.memref_slice %arg10[%add3A_6, %dma_wait3A] : memref<10240x128xf32, #tpu.memory_space<vmem_shared>> -> memref<128x128xf32, #tpu.memory_space<vmem_shared>>
      %dma_wait3A_23 = arith.constant 0 : i32
      %dma_wait3A_24 = tpu.memref_slice %arg10[%add3A_6, %dma_wait3A_23] : memref<10240x128xf32, #tpu.memory_space<vmem_shared>> -> memref<128x128xf32, #tpu.memory_space<vmem_shared>>
      tpu.wait_dma2 semaphore(%run_scoped3A : memref<!tpu.dma_semaphore, #tpu.memory_space<semaphore_mem>>) src(%arg9 : memref<128x128xf32, #tpu.memory_space<vmem>>) dst(%dma_wait3A_24 : memref<128x128xf32, #tpu.memory_space<vmem_shared>>)
      tpu.yield
    }) : () -> ()
    %add3A_7 = arith.constant 256 : i32
    %add3A_8 = arith.addi %mul3A_2, %add3A_7 : i32
    "tpu.region"() ({
      %run_scoped3A = tpu.sem_alloc : memref<!tpu.dma_semaphore, #tpu.memory_space<semaphore_mem>>
      %dma_start3A = arith.constant 0 : i32
      %dma_start3A_19 = tpu.memref_slice %arg10[%add3A_8, %dma_start3A] : memref<10240x128xf32, #tpu.memory_space<vmem_shared>> -> memref<128x128xf32, #tpu.memory_space<vmem_shared>>
      %dma_start3A_20 = arith.constant 0 : i32
      %dma_start3A_21 = tpu.memref_slice %arg10[%add3A_8, %dma_start3A_20] : memref<10240x128xf32, #tpu.memory_space<vmem_shared>> -> memref<128x128xf32, #tpu.memory_space<vmem_shared>>
      tpu.enqueue_dma source(%arg9 : memref<128x128xf32, #tpu.memory_space<vmem>>) target(%dma_start3A_21 : memref<128x128xf32, #tpu.memory_space<vmem_shared>>) target_semaphore(%run_scoped3A : memref<!tpu.dma_semaphore, #tpu.memory_space<semaphore_mem>>)
      %dma_wait3A = arith.constant 0 : i32
      %dma_wait3A_22 = tpu.memref_slice %arg10[%add3A_8, %dma_wait3A] : memref<10240x128xf32, #tpu.memory_space<vmem_shared>> -> memref<128x128xf32, #tpu.memory_space<vmem_shared>>
      %dma_wait3A_23 = arith.constant 0 : i32
      %dma_wait3A_24 = tpu.memref_slice %arg10[%add3A_8, %dma_wait3A_23] : memref<10240x128xf32, #tpu.memory_space<vmem_shared>> -> memref<128x128xf32, #tpu.memory_space<vmem_shared>>
      tpu.wait_dma2 semaphore(%run_scoped3A : memref<!tpu.dma_semaphore, #tpu.memory_space<semaphore_mem>>) src(%arg9 : memref<128x128xf32, #tpu.memory_space<vmem>>) dst(%dma_wait3A_24 : memref<128x128xf32, #tpu.memory_space<vmem_shared>>)
      tpu.yield
    }) : () -> ()
    %add3A_9 = arith.constant 384 : i32
    %add3A_10 = arith.addi %mul3A_2, %add3A_9 : i32
    "tpu.region"() ({
      %run_scoped3A = tpu.sem_alloc : memref<!tpu.dma_semaphore, #tpu.memory_space<semaphore_mem>>
      %dma_start3A = arith.constant 0 : i32
      %dma_start3A_19 = tpu.memref_slice %arg10[%add3A_10, %dma_start3A] : memref<10240x128xf32, #tpu.memory_space<vmem_shared>> -> memref<128x128xf32, #tpu.memory_space<vmem_shared>>
      %dma_start3A_20 = arith.constant 0 : i32
      %dma_start3A_21 = tpu.memref_slice %arg10[%add3A_10, %dma_start3A_20] : memref<10240x128xf32, #tpu.memory_space<vmem_shared>> -> memref<128x128xf32, #tpu.memory_space<vmem_shared>>
      tpu.enqueue_dma source(%arg9 : memref<128x128xf32, #tpu.memory_space<vmem>>) target(%dma_start3A_21 : memref<128x128xf32, #tpu.memory_space<vmem_shared>>) target_semaphore(%run_scoped3A : memref<!tpu.dma_semaphore, #tpu.memory_space<semaphore_mem>>)
      %dma_wait3A = arith.constant 0 : i32
      %dma_wait3A_22 = tpu.memref_slice %arg10[%add3A_10, %dma_wait3A] : memref<10240x128xf32, #tpu.memory_space<vmem_shared>> -> memref<128x128xf32, #tpu.memory_space<vmem_shared>>
      %dma_wait3A_23 = arith.constant 0 : i32
      %dma_wait3A_24 = tpu.memref_slice %arg10[%add3A_10, %dma_wait3A_23] : memref<10240x128xf32, #tpu.memory_space<vmem_shared>> -> memref<128x128xf32, #tpu.memory_space<vmem_shared>>
      tpu.wait_dma2 semaphore(%run_scoped3A : memref<!tpu.dma_semaphore, #tpu.memory_space<semaphore_mem>>) src(%arg9 : memref<128x128xf32, #tpu.memory_space<vmem>>) dst(%dma_wait3A_24 : memref<128x128xf32, #tpu.memory_space<vmem_shared>>)
      tpu.yield
    }) : () -> ()
    %add3A_11 = arith.constant 512 : i32
    %add3A_12 = arith.addi %mul3A_2, %add3A_11 : i32
    "tpu.region"() ({
      %run_scoped3A = tpu.sem_alloc : memref<!tpu.dma_semaphore, #tpu.memory_space<semaphore_mem>>
      %dma_start3A = arith.constant 0 : i32
      %dma_start3A_19 = tpu.memref_slice %arg10[%add3A_12, %dma_start3A] : memref<10240x128xf32, #tpu.memory_space<vmem_shared>> -> memref<128x128xf32, #tpu.memory_space<vmem_shared>>
      %dma_start3A_20 = arith.constant 0 : i32
      %dma_start3A_21 = tpu.memref_slice %arg10[%add3A_12, %dma_start3A_20] : memref<10240x128xf32, #tpu.memory_space<vmem_shared>> -> memref<128x128xf32, #tpu.memory_space<vmem_shared>>
      tpu.enqueue_dma source(%arg9 : memref<128x128xf32, #tpu.memory_space<vmem>>) target(%dma_start3A_21 : memref<128x128xf32, #tpu.memory_space<vmem_shared>>) target_semaphore(%run_scoped3A : memref<!tpu.dma_semaphore, #tpu.memory_space<semaphore_mem>>)
      %dma_wait3A = arith.constant 0 : i32
      %dma_wait3A_22 = tpu.memref_slice %arg10[%add3A_12, %dma_wait3A] : memref<10240x128xf32, #tpu.memory_space<vmem_shared>> -> memref<128x128xf32, #tpu.memory_space<vmem_shared>>
      %dma_wait3A_23 = arith.constant 0 : i32
      %dma_wait3A_24 = tpu.memref_slice %arg10[%add3A_12, %dma_wait3A_23] : memref<10240x128xf32, #tpu.memory_space<vmem_shared>> -> memref<128x128xf32, #tpu.memory_space<vmem_shared>>
      tpu.wait_dma2 semaphore(%run_scoped3A : memref<!tpu.dma_semaphore, #tpu.memory_space<semaphore_mem>>) src(%arg9 : memref<128x128xf32, #tpu.memory_space<vmem>>) dst(%dma_wait3A_24 : memref<128x128xf32, #tpu.memory_space<vmem_shared>>)
      tpu.yield
    }) : () -> ()
    %barrier3A = arith.constant 0 : index
    tpu.barrier barrier_id(%barrier3A)
    %scan3A = arith.constant 0 : i32
    %scan3A_13 = arith.constant 0 : i32
    %scan3A_14 = arith.constant 80 : i32
    %scan3A_15 = arith.addi %scan3A_13, %scan3A_14 : i32
    %scan3A_16 = arith.constant 1 : i32
    scf.for %scan3A_19 = %scan3A_13 to %scan3A_15 step %scan3A_16  : i32 {
      %dma_start3A = arith.constant 0 : i32
      %dma_start3A_20 = tpu.memref_slice %arg7[%scan3A_19, %dma_start3A] : memref<80x128xi32, #tpu.memory_space<vmem>> -> memref<1x128xi32, #tpu.memory_space<vmem>>
      %dma_start3A_21 = tpu.memref_squeeze %dma_start3A_20 : memref<1x128xi32, #tpu.memory_space<vmem>> -> memref<128xi32, #tpu.memory_space<vmem>>
      %dma_start3A_22 = arith.constant 0 : i32
      %dma_start3A_23 = arith.constant 0 : i32
      %dma_start3A_24 = tpu.memref_slice %arg2[%dma_start3A_22, %dma_start3A_23] : memref<10000x128xf32, #tpu.memory_space<hbm>> -> memref<10000x128xf32, #tpu.memory_space<hbm>>
      tpu.enqueue_indirect_dma source(%dma_start3A_24 : memref<10000x128xf32, #tpu.memory_space<hbm>>) target(%arg9 : memref<128x128xf32, #tpu.memory_space<vmem>>) offsets(%dma_start3A_21 : memref<128xi32, #tpu.memory_space<vmem>>) semaphore(%arg11 : memref<!tpu.dma_semaphore, #tpu.memory_space<semaphore_mem>>)
      %dma_wait3A = arith.constant 0 : i32
      %dma_wait3A_25 = tpu.memref_slice %arg7[%scan3A_19, %dma_wait3A] : memref<80x128xi32, #tpu.memory_space<vmem>> -> memref<1x128xi32, #tpu.memory_space<vmem>>
      %dma_wait3A_26 = tpu.memref_squeeze %dma_wait3A_25 : memref<1x128xi32, #tpu.memory_space<vmem>> -> memref<128xi32, #tpu.memory_space<vmem>>
      %dma_wait3A_27 = arith.constant 0 : i32
      %dma_wait3A_28 = arith.constant 0 : i32
      %dma_wait3A_29 = tpu.memref_slice %arg2[%dma_wait3A_27, %dma_wait3A_28] : memref<10000x128xf32, #tpu.memory_space<hbm>> -> memref<10000x128xf32, #tpu.memory_space<hbm>>
      tpu.wait_indirect_dma semaphore(%arg11 : memref<!tpu.dma_semaphore, #tpu.memory_space<semaphore_mem>>) src(%dma_wait3A_29 : memref<10000x128xf32, #tpu.memory_space<hbm>>) dst(%arg9 : memref<128x128xf32, #tpu.memory_space<vmem>>)
      "tpu.region"() ({
        %run_scoped3A = tpu.sem_alloc : memref<!tpu.dma_semaphore, #tpu.memory_space<semaphore_mem>>
        %dma_start3A_30 = arith.constant 0 : i32
        %dma_start3A_31 = tpu.memref_slice %arg8[%scan3A_19, %dma_start3A_30] : memref<80x128xi32, #tpu.memory_space<vmem>> -> memref<1x128xi32, #tpu.memory_space<vmem>>
        %dma_start3A_32 = tpu.memref_squeeze %dma_start3A_31 : memref<1x128xi32, #tpu.memory_space<vmem>> -> memref<128xi32, #tpu.memory_space<vmem>>
        %dma_start3A_33 = arith.constant 0 : i32
        %dma_start3A_34 = arith.constant 0 : i32
        %dma_start3A_35 = tpu.memref_slice %arg10[%dma_start3A_33, %dma_start3A_34] : memref<10240x128xf32, #tpu.memory_space<vmem_shared>> -> memref<10240x128xf32, #tpu.memory_space<vmem_shared>>
        tpu.enqueue_indirect_dma source(%arg9 : memref<128x128xf32, #tpu.memory_space<vmem>>) target(%dma_start3A_35 : memref<10240x128xf32, #tpu.memory_space<vmem_shared>>) offsets(%dma_start3A_32 : memref<128xi32, #tpu.memory_space<vmem>>) semaphore(%run_scoped3A : memref<!tpu.dma_semaphore, #tpu.memory_space<semaphore_mem>>) {add = true}
        %dma_wait3A_36 = arith.constant 0 : i32
        %dma_wait3A_37 = tpu.memref_slice %arg8[%scan3A_19, %dma_wait3A_36] : memref<80x128xi32, #tpu.memory_space<vmem>> -> memref<1x128xi32, #tpu.memory_space<vmem>>
        %dma_wait3A_38 = tpu.memref_squeeze %dma_wait3A_37 : memref<1x128xi32, #tpu.memory_space<vmem>> -> memref<128xi32, #tpu.memory_space<vmem>>
        %dma_wait3A_39 = arith.constant 0 : i32
        %dma_wait3A_40 = arith.constant 0 : i32
        %dma_wait3A_41 = tpu.memref_slice %arg10[%dma_wait3A_39, %dma_wait3A_40] : memref<10240x128xf32, #tpu.memory_space<vmem_shared>> -> memref<10240x128xf32, #tpu.memory_space<vmem_shared>>
        tpu.wait_indirect_dma semaphore(%run_scoped3A : memref<!tpu.dma_semaphore, #tpu.memory_space<semaphore_mem>>) src(%arg9 : memref<128x128xf32, #tpu.memory_space<vmem>>) dst(%dma_wait3A_41 : memref<10240x128xf32, #tpu.memory_space<vmem_shared>>)
        tpu.yield
      }) : () -> ()
    }
    %scan3A_17 = arith.constant 80 : i32
    %barrier3A_18 = arith.constant 0 : index
    tpu.barrier barrier_id(%barrier3A_18)
    "tpu.region"() ({
      %run_scoped3A = tpu.sem_alloc : memref<!tpu.dma_semaphore, #tpu.memory_space<semaphore_mem>>
      %dma_start3A = arith.constant 0 : i32
      %dma_start3A_19 = tpu.memref_slice %arg6[%arg0, %mul3A_2, %dma_start3A] : memref<2x10240x128xf32, #tpu.memory_space<hbm>> -> memref<1x640x128xf32, #tpu.memory_space<hbm>>
      %dma_start3A_20 = tpu.memref_squeeze %dma_start3A_19 : memref<1x640x128xf32, #tpu.memory_space<hbm>> -> memref<640x128xf32, #tpu.memory_space<hbm>>
      %dma_start3A_21 = arith.constant 0 : i32
      %dma_start3A_22 = tpu.memref_slice %arg10[%mul3A_2, %dma_start3A_21] : memref<10240x128xf32, #tpu.memory_space<vmem_shared>> -> memref<640x128xf32, #tpu.memory_space<vmem_shared>>
      tpu.enqueue_dma source(%dma_start3A_22 : memref<640x128xf32, #tpu.memory_space<vmem_shared>>) target(%dma_start3A_20 : memref<640x128xf32, #tpu.memory_space<hbm>>) target_semaphore(%run_scoped3A : memref<!tpu.dma_semaphore, #tpu.memory_space<semaphore_mem>>)
      %dma_wait3A = arith.constant 0 : i32
      %dma_wait3A_23 = tpu.memref_slice %arg6[%arg0, %mul3A_2, %dma_wait3A] : memref<2x10240x128xf32, #tpu.memory_space<hbm>> -> memref<1x640x128xf32, #tpu.memory_space<hbm>>
      %dma_wait3A_24 = tpu.memref_squeeze %dma_wait3A_23 : memref<1x640x128xf32, #tpu.memory_space<hbm>> -> memref<640x128xf32, #tpu.memory_space<hbm>>
      %dma_wait3A_25 = arith.constant 0 : i32
      %dma_wait3A_26 = tpu.memref_slice %arg10[%mul3A_2, %dma_wait3A_25] : memref<10240x128xf32, #tpu.memory_space<vmem_shared>> -> memref<640x128xf32, #tpu.memory_space<vmem_shared>>
      tpu.wait_dma2 semaphore(%run_scoped3A : memref<!tpu.dma_semaphore, #tpu.memory_space<semaphore_mem>>) src(%dma_wait3A_26 : memref<640x128xf32, #tpu.memory_space<vmem_shared>>) dst(%dma_wait3A_24 : memref<640x128xf32, #tpu.memory_space<hbm>>)
      tpu.yield
    }) : () -> ()
    return
  }
}

#map = affine_map<(d0, d1) -> (0, 0)>
#map1 = affine_map<(d0, d1) -> (0, 0, 0)>
module attributes {stable_mosaic.version = 14 : i64} {
  func.func @prop_kernel(%arg0: i32, %arg1: i32, %arg2: memref<10000x128xf32, #tpu.memory_space<hbm>>, %arg3: memref<32x80x128xi32, #tpu.memory_space<hbm>>, %arg4: memref<32x80x128xi32, #tpu.memory_space<hbm>>, %arg5: memref<128x128xf32, #tpu.memory_space<hbm>>, %arg6: memref<2x10240x128xf32, #tpu.memory_space<hbm>>, %arg7: memref<80x128xi32, #tpu.memory_space<vmem>>, %arg8: memref<80x128xi32, #tpu.memory_space<vmem>>, %arg9: memref<128x128xf32, #tpu.memory_space<vmem>>, %arg10: memref<10240x128xf32, #tpu.memory_space<vmem_shared>>, %arg11: memref<!tpu.dma_semaphore, #tpu.memory_space<semaphore_mem>>) attributes {dimension_semantics = [#tpu.dimension_semantics<core_parallel>, #tpu.dimension_semantics<subcore_parallel>], iteration_bounds = array<i64: 2, 16>, scalar_prefetch = 0 : i64, scratch_operands = 5 : i64, tpu.core_type = #tpu.core_type<sc_vector_subcore>, window_params = [{transform_indices = #map}, {transform_indices = #map1}, {transform_indices = #map1}, {transform_indices = #map}, {transform_indices = #map1}]} {
    %mul3A = arith.constant 2 : i32
    %mul3A_0 = arith.muli %arg1, %mul3A : i32
    %add3A = arith.addi %mul3A_0, %arg0 : i32
    "tpu.region"() ({
      %run_scoped3A = tpu.sem_alloc : memref<!tpu.dma_semaphore, #tpu.memory_space<semaphore_mem>>
      %dma_start3A = arith.constant 0 : i32
      %dma_start3A_19 = arith.constant 0 : i32
      %dma_start3A_20 = tpu.memref_slice %arg3[%add3A, %dma_start3A, %dma_start3A_19] : memref<32x80x128xi32, #tpu.memory_space<hbm>> -> memref<1x80x128xi32, #tpu.memory_space<hbm>>
      %dma_start3A_21 = tpu.memref_squeeze %dma_start3A_20 : memref<1x80x128xi32, #tpu.memory_space<hbm>> -> memref<80x128xi32, #tpu.memory_space<hbm>>
      %dma_start3A_22 = arith.constant 0 : i32
      %dma_start3A_23 = arith.constant 0 : i32
      %dma_start3A_24 = tpu.memref_slice %arg3[%add3A, %dma_start3A_22, %dma_start3A_23] : memref<32x80x128xi32, #tpu.memory_space<hbm>> -> memref<1x80x128xi32, #tpu.memory_space<hbm>>
      %dma_start3A_25 = tpu.memref_squeeze %dma_start3A_24 : memref<1x80x128xi32, #tpu.memory_space<hbm>> -> memref<80x128xi32, #tpu.memory_space<hbm>>
      tpu.enqueue_dma source(%dma_start3A_25 : memref<80x128xi32, #tpu.memory_space<hbm>>) target(%arg7 : memref<80x128xi32, #tpu.memory_space<vmem>>) target_semaphore(%run_scoped3A : memref<!tpu.dma_semaphore, #tpu.memory_space<semaphore_mem>>)
      %dma_wait3A = arith.constant 0 : i32
      %dma_wait3A_26 = arith.constant 0 : i32
      %dma_wait3A_27 = tpu.memref_slice %arg3[%add3A, %dma_wait3A, %dma_wait3A_26] : memref<32x80x128xi32, #tpu.memory_space<hbm>> -> memref<1x80x128xi32, #tpu.memory_space<hbm>>
      %dma_wait3A_28 = tpu.memref_squeeze %dma_wait3A_27 : memref<1x80x128xi32, #tpu.memory_space<hbm>> -> memref<80x128xi32, #tpu.memory_space<hbm>>
      %dma_wait3A_29 = arith.constant 0 : i32
      %dma_wait3A_30 = arith.constant 0 : i32
      %dma_wait3A_31 = tpu.memref_slice %arg3[%add3A, %dma_wait3A_29, %dma_wait3A_30] : memref<32x80x128xi32, #tpu.memory_space<hbm>> -> memref<1x80x128xi32, #tpu.memory_space<hbm>>
      %dma_wait3A_32 = tpu.memref_squeeze %dma_wait3A_31 : memref<1x80x128xi32, #tpu.memory_space<hbm>> -> memref<80x128xi32, #tpu.memory_space<hbm>>
      tpu.wait_dma2 semaphore(%run_scoped3A : memref<!tpu.dma_semaphore, #tpu.memory_space<semaphore_mem>>) src(%dma_wait3A_32 : memref<80x128xi32, #tpu.memory_space<hbm>>) dst(%arg7 : memref<80x128xi32, #tpu.memory_space<vmem>>)
      tpu.yield
    }) : () -> ()
    "tpu.region"() ({
      %run_scoped3A = tpu.sem_alloc : memref<!tpu.dma_semaphore, #tpu.memory_space<semaphore_mem>>
      %dma_start3A = arith.constant 0 : i32
      %dma_start3A_19 = arith.constant 0 : i32
      %dma_start3A_20 = tpu.memref_slice %arg4[%add3A, %dma_start3A, %dma_start3A_19] : memref<32x80x128xi32, #tpu.memory_space<hbm>> -> memref<1x80x128xi32, #tpu.memory_space<hbm>>
      %dma_start3A_21 = tpu.memref_squeeze %dma_start3A_20 : memref<1x80x128xi32, #tpu.memory_space<hbm>> -> memref<80x128xi32, #tpu.memory_space<hbm>>
      %dma_start3A_22 = arith.constant 0 : i32
      %dma_start3A_23 = arith.constant 0 : i32
      %dma_start3A_24 = tpu.memref_slice %arg4[%add3A, %dma_start3A_22, %dma_start3A_23] : memref<32x80x128xi32, #tpu.memory_space<hbm>> -> memref<1x80x128xi32, #tpu.memory_space<hbm>>
      %dma_start3A_25 = tpu.memref_squeeze %dma_start3A_24 : memref<1x80x128xi32, #tpu.memory_space<hbm>> -> memref<80x128xi32, #tpu.memory_space<hbm>>
      tpu.enqueue_dma source(%dma_start3A_25 : memref<80x128xi32, #tpu.memory_space<hbm>>) target(%arg8 : memref<80x128xi32, #tpu.memory_space<vmem>>) target_semaphore(%run_scoped3A : memref<!tpu.dma_semaphore, #tpu.memory_space<semaphore_mem>>)
      %dma_wait3A = arith.constant 0 : i32
      %dma_wait3A_26 = arith.constant 0 : i32
      %dma_wait3A_27 = tpu.memref_slice %arg4[%add3A, %dma_wait3A, %dma_wait3A_26] : memref<32x80x128xi32, #tpu.memory_space<hbm>> -> memref<1x80x128xi32, #tpu.memory_space<hbm>>
      %dma_wait3A_28 = tpu.memref_squeeze %dma_wait3A_27 : memref<1x80x128xi32, #tpu.memory_space<hbm>> -> memref<80x128xi32, #tpu.memory_space<hbm>>
      %dma_wait3A_29 = arith.constant 0 : i32
      %dma_wait3A_30 = arith.constant 0 : i32
      %dma_wait3A_31 = tpu.memref_slice %arg4[%add3A, %dma_wait3A_29, %dma_wait3A_30] : memref<32x80x128xi32, #tpu.memory_space<hbm>> -> memref<1x80x128xi32, #tpu.memory_space<hbm>>
      %dma_wait3A_32 = tpu.memref_squeeze %dma_wait3A_31 : memref<1x80x128xi32, #tpu.memory_space<hbm>> -> memref<80x128xi32, #tpu.memory_space<hbm>>
      tpu.wait_dma2 semaphore(%run_scoped3A : memref<!tpu.dma_semaphore, #tpu.memory_space<semaphore_mem>>) src(%dma_wait3A_32 : memref<80x128xi32, #tpu.memory_space<hbm>>) dst(%arg8 : memref<80x128xi32, #tpu.memory_space<vmem>>)
      tpu.yield
    }) : () -> ()
    "tpu.region"() ({
      %run_scoped3A = tpu.sem_alloc : memref<!tpu.dma_semaphore, #tpu.memory_space<semaphore_mem>>
      tpu.enqueue_dma source(%arg5 : memref<128x128xf32, #tpu.memory_space<hbm>>) target(%arg9 : memref<128x128xf32, #tpu.memory_space<vmem>>) target_semaphore(%run_scoped3A : memref<!tpu.dma_semaphore, #tpu.memory_space<semaphore_mem>>)
      tpu.wait_dma2 semaphore(%run_scoped3A : memref<!tpu.dma_semaphore, #tpu.memory_space<semaphore_mem>>) src(%arg5 : memref<128x128xf32, #tpu.memory_space<hbm>>) dst(%arg9 : memref<128x128xf32, #tpu.memory_space<vmem>>)
      tpu.yield
    }) : () -> ()
    %mul3A_1 = arith.constant 640 : i32
    %mul3A_2 = arith.muli %arg1, %mul3A_1 : i32
    %add3A_3 = arith.constant 0 : i32
    %add3A_4 = arith.addi %mul3A_2, %add3A_3 : i32
    "tpu.region"() ({
      %run_scoped3A = tpu.sem_alloc : memref<!tpu.dma_semaphore, #tpu.memory_space<semaphore_mem>>
      %dma_start3A = arith.constant 0 : i32
      %dma_start3A_19 = tpu.memref_slice %arg10[%add3A_4, %dma_start3A] : memref<10240x128xf32, #tpu.memory_space<vmem_shared>> -> memref<128x128xf32, #tpu.memory_space<vmem_shared>>
      %dma_start3A_20 = arith.constant 0 : i32
      %dma_start3A_21 = tpu.memref_slice %arg10[%add3A_4, %dma_start3A_20] : memref<10240x128xf32, #tpu.memory_space<vmem_shared>> -> memref<128x128xf32, #tpu.memory_space<vmem_shared>>
      tpu.enqueue_dma source(%arg9 : memref<128x128xf32, #tpu.memory_space<vmem>>) target(%dma_start3A_21 : memref<128x128xf32, #tpu.memory_space<vmem_shared>>) target_semaphore(%run_scoped3A : memref<!tpu.dma_semaphore, #tpu.memory_space<semaphore_mem>>)
      %dma_wait3A = arith.constant 0 : i32
      %dma_wait3A_22 = tpu.memref_slice %arg10[%add3A_4, %dma_wait3A] : memref<10240x128xf32, #tpu.memory_space<vmem_shared>> -> memref<128x128xf32, #tpu.memory_space<vmem_shared>>
      %dma_wait3A_23 = arith.constant 0 : i32
      %dma_wait3A_24 = tpu.memref_slice %arg10[%add3A_4, %dma_wait3A_23] : memref<10240x128xf32, #tpu.memory_space<vmem_shared>> -> memref<128x128xf32, #tpu.memory_space<vmem_shared>>
      tpu.wait_dma2 semaphore(%run_scoped3A : memref<!tpu.dma_semaphore, #tpu.memory_space<semaphore_mem>>) src(%arg9 : memref<128x128xf32, #tpu.memory_space<vmem>>) dst(%dma_wait3A_24 : memref<128x128xf32, #tpu.memory_space<vmem_shared>>)
      tpu.yield
    }) : () -> ()
    %add3A_5 = arith.constant 128 : i32
    %add3A_6 = arith.addi %mul3A_2, %add3A_5 : i32
    "tpu.region"() ({
      %run_scoped3A = tpu.sem_alloc : memref<!tpu.dma_semaphore, #tpu.memory_space<semaphore_mem>>
      %dma_start3A = arith.constant 0 : i32
      %dma_start3A_19 = tpu.memref_slice %arg10[%add3A_6, %dma_start3A] : memref<10240x128xf32, #tpu.memory_space<vmem_shared>> -> memref<128x128xf32, #tpu.memory_space<vmem_shared>>
      %dma_start3A_20 = arith.constant 0 : i32
      %dma_start3A_21 = tpu.memref_slice %arg10[%add3A_6, %dma_start3A_20] : memref<10240x128xf32, #tpu.memory_space<vmem_shared>> -> memref<128x128xf32, #tpu.memory_space<vmem_shared>>
      tpu.enqueue_dma source(%arg9 : memref<128x128xf32, #tpu.memory_space<vmem>>) target(%dma_start3A_21 : memref<128x128xf32, #tpu.memory_space<vmem_shared>>) target_semaphore(%run_scoped3A : memref<!tpu.dma_semaphore, #tpu.memory_space<semaphore_mem>>)
      %dma_wait3A = arith.constant 0 : i32
      %dma_wait3A_22 = tpu.memref_slice %arg10[%add3A_6, %dma_wait3A] : memref<10240x128xf32, #tpu.memory_space<vmem_shared>> -> memref<128x128xf32, #tpu.memory_space<vmem_shared>>
      %dma_wait3A_23 = arith.constant 0 : i32
      %dma_wait3A_24 = tpu.memref_slice %arg10[%add3A_6, %dma_wait3A_23] : memref<10240x128xf32, #tpu.memory_space<vmem_shared>> -> memref<128x128xf32, #tpu.memory_space<vmem_shared>>
      tpu.wait_dma2 semaphore(%run_scoped3A : memref<!tpu.dma_semaphore, #tpu.memory_space<semaphore_mem>>) src(%arg9 : memref<128x128xf32, #tpu.memory_space<vmem>>) dst(%dma_wait3A_24 : memref<128x128xf32, #tpu.memory_space<vmem_shared>>)
      tpu.yield
    }) : () -> ()
    %add3A_7 = arith.constant 256 : i32
    %add3A_8 = arith.addi %mul3A_2, %add3A_7 : i32
    "tpu.region"() ({
      %run_scoped3A = tpu.sem_alloc : memref<!tpu.dma_semaphore, #tpu.memory_space<semaphore_mem>>
      %dma_start3A = arith.constant 0 : i32
      %dma_start3A_19 = tpu.memref_slice %arg10[%add3A_8, %dma_start3A] : memref<10240x128xf32, #tpu.memory_space<vmem_shared>> -> memref<128x128xf32, #tpu.memory_space<vmem_shared>>
      %dma_start3A_20 = arith.constant 0 : i32
      %dma_start3A_21 = tpu.memref_slice %arg10[%add3A_8, %dma_start3A_20] : memref<10240x128xf32, #tpu.memory_space<vmem_shared>> -> memref<128x128xf32, #tpu.memory_space<vmem_shared>>
      tpu.enqueue_dma source(%arg9 : memref<128x128xf32, #tpu.memory_space<vmem>>) target(%dma_start3A_21 : memref<128x128xf32, #tpu.memory_space<vmem_shared>>) target_semaphore(%run_scoped3A : memref<!tpu.dma_semaphore, #tpu.memory_space<semaphore_mem>>)
      %dma_wait3A = arith.constant 0 : i32
      %dma_wait3A_22 = tpu.memref_slice %arg10[%add3A_8, %dma_wait3A] : memref<10240x128xf32, #tpu.memory_space<vmem_shared>> -> memref<128x128xf32, #tpu.memory_space<vmem_shared>>
      %dma_wait3A_23 = arith.constant 0 : i32
      %dma_wait3A_24 = tpu.memref_slice %arg10[%add3A_8, %dma_wait3A_23] : memref<10240x128xf32, #tpu.memory_space<vmem_shared>> -> memref<128x128xf32, #tpu.memory_space<vmem_shared>>
      tpu.wait_dma2 semaphore(%run_scoped3A : memref<!tpu.dma_semaphore, #tpu.memory_space<semaphore_mem>>) src(%arg9 : memref<128x128xf32, #tpu.memory_space<vmem>>) dst(%dma_wait3A_24 : memref<128x128xf32, #tpu.memory_space<vmem_shared>>)
      tpu.yield
    }) : () -> ()
    %add3A_9 = arith.constant 384 : i32
    %add3A_10 = arith.addi %mul3A_2, %add3A_9 : i32
    "tpu.region"() ({
      %run_scoped3A = tpu.sem_alloc : memref<!tpu.dma_semaphore, #tpu.memory_space<semaphore_mem>>
      %dma_start3A = arith.constant 0 : i32
      %dma_start3A_19 = tpu.memref_slice %arg10[%add3A_10, %dma_start3A] : memref<10240x128xf32, #tpu.memory_space<vmem_shared>> -> memref<128x128xf32, #tpu.memory_space<vmem_shared>>
      %dma_start3A_20 = arith.constant 0 : i32
      %dma_start3A_21 = tpu.memref_slice %arg10[%add3A_10, %dma_start3A_20] : memref<10240x128xf32, #tpu.memory_space<vmem_shared>> -> memref<128x128xf32, #tpu.memory_space<vmem_shared>>
      tpu.enqueue_dma source(%arg9 : memref<128x128xf32, #tpu.memory_space<vmem>>) target(%dma_start3A_21 : memref<128x128xf32, #tpu.memory_space<vmem_shared>>) target_semaphore(%run_scoped3A : memref<!tpu.dma_semaphore, #tpu.memory_space<semaphore_mem>>)
      %dma_wait3A = arith.constant 0 : i32
      %dma_wait3A_22 = tpu.memref_slice %arg10[%add3A_10, %dma_wait3A] : memref<10240x128xf32, #tpu.memory_space<vmem_shared>> -> memref<128x128xf32, #tpu.memory_space<vmem_shared>>
      %dma_wait3A_23 = arith.constant 0 : i32
      %dma_wait3A_24 = tpu.memref_slice %arg10[%add3A_10, %dma_wait3A_23] : memref<10240x128xf32, #tpu.memory_space<vmem_shared>> -> memref<128x128xf32, #tpu.memory_space<vmem_shared>>
      tpu.wait_dma2 semaphore(%run_scoped3A : memref<!tpu.dma_semaphore, #tpu.memory_space<semaphore_mem>>) src(%arg9 : memref<128x128xf32, #tpu.memory_space<vmem>>) dst(%dma_wait3A_24 : memref<128x128xf32, #tpu.memory_space<vmem_shared>>)
      tpu.yield
    }) : () -> ()
    %add3A_11 = arith.constant 512 : i32
    %add3A_12 = arith.addi %mul3A_2, %add3A_11 : i32
    "tpu.region"() ({
      %run_scoped3A = tpu.sem_alloc : memref<!tpu.dma_semaphore, #tpu.memory_space<semaphore_mem>>
      %dma_start3A = arith.constant 0 : i32
      %dma_start3A_19 = tpu.memref_slice %arg10[%add3A_12, %dma_start3A] : memref<10240x128xf32, #tpu.memory_space<vmem_shared>> -> memref<128x128xf32, #tpu.memory_space<vmem_shared>>
      %dma_start3A_20 = arith.constant 0 : i32
      %dma_start3A_21 = tpu.memref_slice %arg10[%add3A_12, %dma_start3A_20] : memref<10240x128xf32, #tpu.memory_space<vmem_shared>> -> memref<128x128xf32, #tpu.memory_space<vmem_shared>>
      tpu.enqueue_dma source(%arg9 : memref<128x128xf32, #tpu.memory_space<vmem>>) target(%dma_start3A_21 : memref<128x128xf32, #tpu.memory_space<vmem_shared>>) target_semaphore(%run_scoped3A : memref<!tpu.dma_semaphore, #tpu.memory_space<semaphore_mem>>)
      %dma_wait3A = arith.constant 0 : i32
      %dma_wait3A_22 = tpu.memref_slice %arg10[%add3A_12, %dma_wait3A] : memref<10240x128xf32, #tpu.memory_space<vmem_shared>> -> memref<128x128xf32, #tpu.memory_space<vmem_shared>>
      %dma_wait3A_23 = arith.constant 0 : i32
      %dma_wait3A_24 = tpu.memref_slice %arg10[%add3A_12, %dma_wait3A_23] : memref<10240x128xf32, #tpu.memory_space<vmem_shared>> -> memref<128x128xf32, #tpu.memory_space<vmem_shared>>
      tpu.wait_dma2 semaphore(%run_scoped3A : memref<!tpu.dma_semaphore, #tpu.memory_space<semaphore_mem>>) src(%arg9 : memref<128x128xf32, #tpu.memory_space<vmem>>) dst(%dma_wait3A_24 : memref<128x128xf32, #tpu.memory_space<vmem_shared>>)
      tpu.yield
    }) : () -> ()
    %barrier3A = arith.constant 0 : index
    tpu.barrier barrier_id(%barrier3A)
    %scan3A = arith.constant 0 : i32
    %scan3A_13 = arith.constant 0 : i32
    %scan3A_14 = arith.constant 80 : i32
    %scan3A_15 = arith.addi %scan3A_13, %scan3A_14 : i32
    %scan3A_16 = arith.constant 1 : i32
    scf.for %scan3A_19 = %scan3A_13 to %scan3A_15 step %scan3A_16  : i32 {
      %dma_start3A = arith.constant 0 : i32
      %dma_start3A_20 = tpu.memref_slice %arg7[%scan3A_19, %dma_start3A] : memref<80x128xi32, #tpu.memory_space<vmem>> -> memref<1x128xi32, #tpu.memory_space<vmem>>
      %dma_start3A_21 = tpu.memref_squeeze %dma_start3A_20 : memref<1x128xi32, #tpu.memory_space<vmem>> -> memref<128xi32, #tpu.memory_space<vmem>>
      %dma_start3A_22 = arith.constant 0 : i32
      %dma_start3A_23 = arith.constant 0 : i32
      %dma_start3A_24 = tpu.memref_slice %arg2[%dma_start3A_22, %dma_start3A_23] : memref<10000x128xf32, #tpu.memory_space<hbm>> -> memref<10000x128xf32, #tpu.memory_space<hbm>>
      tpu.enqueue_indirect_dma source(%dma_start3A_24 : memref<10000x128xf32, #tpu.memory_space<hbm>>) target(%arg9 : memref<128x128xf32, #tpu.memory_space<vmem>>) offsets(%dma_start3A_21 : memref<128xi32, #tpu.memory_space<vmem>>) semaphore(%arg11 : memref<!tpu.dma_semaphore, #tpu.memory_space<semaphore_mem>>)
      %dma_wait3A = arith.constant 0 : i32
      %dma_wait3A_25 = tpu.memref_slice %arg7[%scan3A_19, %dma_wait3A] : memref<80x128xi32, #tpu.memory_space<vmem>> -> memref<1x128xi32, #tpu.memory_space<vmem>>
      %dma_wait3A_26 = tpu.memref_squeeze %dma_wait3A_25 : memref<1x128xi32, #tpu.memory_space<vmem>> -> memref<128xi32, #tpu.memory_space<vmem>>
      %dma_wait3A_27 = arith.constant 0 : i32
      %dma_wait3A_28 = arith.constant 0 : i32
      %dma_wait3A_29 = tpu.memref_slice %arg2[%dma_wait3A_27, %dma_wait3A_28] : memref<10000x128xf32, #tpu.memory_space<hbm>> -> memref<10000x128xf32, #tpu.memory_space<hbm>>
      tpu.wait_indirect_dma semaphore(%arg11 : memref<!tpu.dma_semaphore, #tpu.memory_space<semaphore_mem>>) src(%dma_wait3A_29 : memref<10000x128xf32, #tpu.memory_space<hbm>>) dst(%arg9 : memref<128x128xf32, #tpu.memory_space<vmem>>)
      "tpu.region"() ({
        %run_scoped3A = tpu.sem_alloc : memref<!tpu.dma_semaphore, #tpu.memory_space<semaphore_mem>>
        %dma_start3A_30 = arith.constant 0 : i32
        %dma_start3A_31 = tpu.memref_slice %arg8[%scan3A_19, %dma_start3A_30] : memref<80x128xi32, #tpu.memory_space<vmem>> -> memref<1x128xi32, #tpu.memory_space<vmem>>
        %dma_start3A_32 = tpu.memref_squeeze %dma_start3A_31 : memref<1x128xi32, #tpu.memory_space<vmem>> -> memref<128xi32, #tpu.memory_space<vmem>>
        %dma_start3A_33 = arith.constant 0 : i32
        %dma_start3A_34 = arith.constant 0 : i32
        %dma_start3A_35 = tpu.memref_slice %arg10[%dma_start3A_33, %dma_start3A_34] : memref<10240x128xf32, #tpu.memory_space<vmem_shared>> -> memref<10240x128xf32, #tpu.memory_space<vmem_shared>>
        tpu.enqueue_indirect_dma source(%arg9 : memref<128x128xf32, #tpu.memory_space<vmem>>) target(%dma_start3A_35 : memref<10240x128xf32, #tpu.memory_space<vmem_shared>>) offsets(%dma_start3A_32 : memref<128xi32, #tpu.memory_space<vmem>>) semaphore(%run_scoped3A : memref<!tpu.dma_semaphore, #tpu.memory_space<semaphore_mem>>) {add = true}
        %dma_wait3A_36 = arith.constant 0 : i32
        %dma_wait3A_37 = tpu.memref_slice %arg8[%scan3A_19, %dma_wait3A_36] : memref<80x128xi32, #tpu.memory_space<vmem>> -> memref<1x128xi32, #tpu.memory_space<vmem>>
        %dma_wait3A_38 = tpu.memref_squeeze %dma_wait3A_37 : memref<1x128xi32, #tpu.memory_space<vmem>> -> memref<128xi32, #tpu.memory_space<vmem>>
        %dma_wait3A_39 = arith.constant 0 : i32
        %dma_wait3A_40 = arith.constant 0 : i32
        %dma_wait3A_41 = tpu.memref_slice %arg10[%dma_wait3A_39, %dma_wait3A_40] : memref<10240x128xf32, #tpu.memory_space<vmem_shared>> -> memref<10240x128xf32, #tpu.memory_space<vmem_shared>>
        tpu.wait_indirect_dma semaphore(%run_scoped3A : memref<!tpu.dma_semaphore, #tpu.memory_space<semaphore_mem>>) src(%arg9 : memref<128x128xf32, #tpu.memory_space<vmem>>) dst(%dma_wait3A_41 : memref<10240x128xf32, #tpu.memory_space<vmem_shared>>)
        tpu.yield
      }) : () -> ()
    }
    %scan3A_17 = arith.constant 80 : i32
    %barrier3A_18 = arith.constant 0 : index
    tpu.barrier barrier_id(%barrier3A_18)
    "tpu.region"() ({
      %run_scoped3A = tpu.sem_alloc : memref<!tpu.dma_semaphore, #tpu.memory_space<semaphore_mem>>
      %dma_start3A = arith.constant 0 : i32
      %dma_start3A_19 = tpu.memref_slice %arg6[%arg0, %mul3A_2, %dma_start3A] : memref<2x10240x128xf32, #tpu.memory_space<hbm>> -> memref<1x640x128xf32, #tpu.memory_space<hbm>>
      %dma_start3A_20 = tpu.memref_squeeze %dma_start3A_19 : memref<1x640x128xf32, #tpu.memory_space<hbm>> -> memref<640x128xf32, #tpu.memory_space<hbm>>
      %dma_start3A_21 = arith.constant 0 : i32
      %dma_start3A_22 = tpu.memref_slice %arg10[%mul3A_2, %dma_start3A_21] : memref<10240x128xf32, #tpu.memory_space<vmem_shared>> -> memref<640x128xf32, #tpu.memory_space<vmem_shared>>
      tpu.enqueue_dma source(%dma_start3A_22 : memref<640x128xf32, #tpu.memory_space<vmem_shared>>) target(%dma_start3A_20 : memref<640x128xf32, #tpu.memory_space<hbm>>) target_semaphore(%run_scoped3A : memref<!tpu.dma_semaphore, #tpu.memory_space<semaphore_mem>>)
      %dma_wait3A = arith.constant 0 : i32
      %dma_wait3A_23 = tpu.memref_slice %arg6[%arg0, %mul3A_2, %dma_wait3A] : memref<2x10240x128xf32, #tpu.memory_space<hbm>> -> memref<1x640x128xf32, #tpu.memory_space<hbm>>
      %dma_wait3A_24 = tpu.memref_squeeze %dma_wait3A_23 : memref<1x640x128xf32, #tpu.memory_space<hbm>> -> memref<640x128xf32, #tpu.memory_space<hbm>>
      %dma_wait3A_25 = arith.constant 0 : i32
      %dma_wait3A_26 = tpu.memref_slice %arg10[%mul3A_2, %dma_wait3A_25] : memref<10240x128xf32, #tpu.memory_space<vmem_shared>> -> memref<640x128xf32, #tpu.memory_space<vmem_shared>>
      tpu.wait_dma2 semaphore(%run_scoped3A : memref<!tpu.dma_semaphore, #tpu.memory_space<semaphore_mem>>) src(%dma_wait3A_26 : memref<640x128xf32, #tpu.memory_space<vmem_shared>>) dst(%dma_wait3A_24 : memref<640x128xf32, #tpu.memory_space<hbm>>)
      tpu.yield
    }) : () -> ()
    return
  }
}

#map = affine_map<(d0, d1) -> (0, 0, 0)>
module attributes {stable_mosaic.version = 14 : i64} {
  func.func @deg_kernel(%arg0: i32, %arg1: i32, %arg2: memref<32x80x128xi32, #tpu.memory_space<hbm>>, %arg3: memref<2x128x16xf32, #tpu.memory_space<hbm>>, %arg4: memref<2x10240x16xf32, #tpu.memory_space<hbm>>, %arg5: memref<80x128xi32, #tpu.memory_space<vmem>>, %arg6: memref<128x16xf32, #tpu.memory_space<vmem>>, %arg7: memref<128x16xf32, #tpu.memory_space<vmem>>, %arg8: memref<10240x16xf32, #tpu.memory_space<vmem_shared>>) attributes {dimension_semantics = [#tpu.dimension_semantics<core_parallel>, #tpu.dimension_semantics<subcore_parallel>], iteration_bounds = array<i64: 2, 16>, scalar_prefetch = 0 : i64, scratch_operands = 4 : i64, tpu.core_type = #tpu.core_type<sc_vector_subcore>, window_params = [{transform_indices = #map}, {transform_indices = #map}, {transform_indices = #map}]} {
    %mul3A = arith.constant 2 : i32
    %mul3A_0 = arith.muli %arg1, %mul3A : i32
    %add3A = arith.addi %mul3A_0, %arg0 : i32
    "tpu.region"() ({
      %run_scoped3A_20 = tpu.sem_alloc : memref<!tpu.dma_semaphore, #tpu.memory_space<semaphore_mem>>
      %dma_start3A = arith.constant 0 : i32
      %dma_start3A_21 = arith.constant 0 : i32
      %dma_start3A_22 = tpu.memref_slice %arg2[%add3A, %dma_start3A, %dma_start3A_21] : memref<32x80x128xi32, #tpu.memory_space<hbm>> -> memref<1x80x128xi32, #tpu.memory_space<hbm>>
      %dma_start3A_23 = tpu.memref_squeeze %dma_start3A_22 : memref<1x80x128xi32, #tpu.memory_space<hbm>> -> memref<80x128xi32, #tpu.memory_space<hbm>>
      %dma_start3A_24 = arith.constant 0 : i32
      %dma_start3A_25 = arith.constant 0 : i32
      %dma_start3A_26 = tpu.memref_slice %arg2[%add3A, %dma_start3A_24, %dma_start3A_25] : memref<32x80x128xi32, #tpu.memory_space<hbm>> -> memref<1x80x128xi32, #tpu.memory_space<hbm>>
      %dma_start3A_27 = tpu.memref_squeeze %dma_start3A_26 : memref<1x80x128xi32, #tpu.memory_space<hbm>> -> memref<80x128xi32, #tpu.memory_space<hbm>>
      tpu.enqueue_dma source(%dma_start3A_27 : memref<80x128xi32, #tpu.memory_space<hbm>>) target(%arg5 : memref<80x128xi32, #tpu.memory_space<vmem>>) target_semaphore(%run_scoped3A_20 : memref<!tpu.dma_semaphore, #tpu.memory_space<semaphore_mem>>)
      %dma_wait3A = arith.constant 0 : i32
      %dma_wait3A_28 = arith.constant 0 : i32
      %dma_wait3A_29 = tpu.memref_slice %arg2[%add3A, %dma_wait3A, %dma_wait3A_28] : memref<32x80x128xi32, #tpu.memory_space<hbm>> -> memref<1x80x128xi32, #tpu.memory_space<hbm>>
      %dma_wait3A_30 = tpu.memref_squeeze %dma_wait3A_29 : memref<1x80x128xi32, #tpu.memory_space<hbm>> -> memref<80x128xi32, #tpu.memory_space<hbm>>
      %dma_wait3A_31 = arith.constant 0 : i32
      %dma_wait3A_32 = arith.constant 0 : i32
      %dma_wait3A_33 = tpu.memref_slice %arg2[%add3A, %dma_wait3A_31, %dma_wait3A_32] : memref<32x80x128xi32, #tpu.memory_space<hbm>> -> memref<1x80x128xi32, #tpu.memory_space<hbm>>
      %dma_wait3A_34 = tpu.memref_squeeze %dma_wait3A_33 : memref<1x80x128xi32, #tpu.memory_space<hbm>> -> memref<80x128xi32, #tpu.memory_space<hbm>>
      tpu.wait_dma2 semaphore(%run_scoped3A_20 : memref<!tpu.dma_semaphore, #tpu.memory_space<semaphore_mem>>) src(%dma_wait3A_34 : memref<80x128xi32, #tpu.memory_space<hbm>>) dst(%arg5 : memref<80x128xi32, #tpu.memory_space<vmem>>)
      tpu.yield
    }) : () -> ()
    %run_scoped3A = arith.constant 0 : i32
    "tpu.region"() ({
      %run_scoped3A_20 = tpu.sem_alloc : memref<!tpu.dma_semaphore, #tpu.memory_space<semaphore_mem>>
      %dma_start3A = arith.constant 0 : i32
      %dma_start3A_21 = arith.constant 0 : i32
      %dma_start3A_22 = tpu.memref_slice %arg3[%run_scoped3A, %dma_start3A, %dma_start3A_21] : memref<2x128x16xf32, #tpu.memory_space<hbm>> -> memref<1x128x16xf32, #tpu.memory_space<hbm>>
      %dma_start3A_23 = tpu.memref_squeeze %dma_start3A_22 : memref<1x128x16xf32, #tpu.memory_space<hbm>> -> memref<128x16xf32, #tpu.memory_space<hbm>>
      %dma_start3A_24 = arith.constant 0 : i32
      %dma_start3A_25 = arith.constant 0 : i32
      %dma_start3A_26 = tpu.memref_slice %arg3[%run_scoped3A, %dma_start3A_24, %dma_start3A_25] : memref<2x128x16xf32, #tpu.memory_space<hbm>> -> memref<1x128x16xf32, #tpu.memory_space<hbm>>
      %dma_start3A_27 = tpu.memref_squeeze %dma_start3A_26 : memref<1x128x16xf32, #tpu.memory_space<hbm>> -> memref<128x16xf32, #tpu.memory_space<hbm>>
      tpu.enqueue_dma source(%dma_start3A_27 : memref<128x16xf32, #tpu.memory_space<hbm>>) target(%arg6 : memref<128x16xf32, #tpu.memory_space<vmem>>) target_semaphore(%run_scoped3A_20 : memref<!tpu.dma_semaphore, #tpu.memory_space<semaphore_mem>>)
      %dma_wait3A = arith.constant 0 : i32
      %dma_wait3A_28 = arith.constant 0 : i32
      %dma_wait3A_29 = tpu.memref_slice %arg3[%run_scoped3A, %dma_wait3A, %dma_wait3A_28] : memref<2x128x16xf32, #tpu.memory_space<hbm>> -> memref<1x128x16xf32, #tpu.memory_space<hbm>>
      %dma_wait3A_30 = tpu.memref_squeeze %dma_wait3A_29 : memref<1x128x16xf32, #tpu.memory_space<hbm>> -> memref<128x16xf32, #tpu.memory_space<hbm>>
      %dma_wait3A_31 = arith.constant 0 : i32
      %dma_wait3A_32 = arith.constant 0 : i32
      %dma_wait3A_33 = tpu.memref_slice %arg3[%run_scoped3A, %dma_wait3A_31, %dma_wait3A_32] : memref<2x128x16xf32, #tpu.memory_space<hbm>> -> memref<1x128x16xf32, #tpu.memory_space<hbm>>
      %dma_wait3A_34 = tpu.memref_squeeze %dma_wait3A_33 : memref<1x128x16xf32, #tpu.memory_space<hbm>> -> memref<128x16xf32, #tpu.memory_space<hbm>>
      tpu.wait_dma2 semaphore(%run_scoped3A_20 : memref<!tpu.dma_semaphore, #tpu.memory_space<semaphore_mem>>) src(%dma_wait3A_34 : memref<128x16xf32, #tpu.memory_space<hbm>>) dst(%arg6 : memref<128x16xf32, #tpu.memory_space<vmem>>)
      tpu.yield
    }) : () -> ()
    %run_scoped3A_1 = arith.constant 1 : i32
    "tpu.region"() ({
      %run_scoped3A_20 = tpu.sem_alloc : memref<!tpu.dma_semaphore, #tpu.memory_space<semaphore_mem>>
      %dma_start3A = arith.constant 0 : i32
      %dma_start3A_21 = arith.constant 0 : i32
      %dma_start3A_22 = tpu.memref_slice %arg3[%run_scoped3A_1, %dma_start3A, %dma_start3A_21] : memref<2x128x16xf32, #tpu.memory_space<hbm>> -> memref<1x128x16xf32, #tpu.memory_space<hbm>>
      %dma_start3A_23 = tpu.memref_squeeze %dma_start3A_22 : memref<1x128x16xf32, #tpu.memory_space<hbm>> -> memref<128x16xf32, #tpu.memory_space<hbm>>
      %dma_start3A_24 = arith.constant 0 : i32
      %dma_start3A_25 = arith.constant 0 : i32
      %dma_start3A_26 = tpu.memref_slice %arg3[%run_scoped3A_1, %dma_start3A_24, %dma_start3A_25] : memref<2x128x16xf32, #tpu.memory_space<hbm>> -> memref<1x128x16xf32, #tpu.memory_space<hbm>>
      %dma_start3A_27 = tpu.memref_squeeze %dma_start3A_26 : memref<1x128x16xf32, #tpu.memory_space<hbm>> -> memref<128x16xf32, #tpu.memory_space<hbm>>
      tpu.enqueue_dma source(%dma_start3A_27 : memref<128x16xf32, #tpu.memory_space<hbm>>) target(%arg7 : memref<128x16xf32, #tpu.memory_space<vmem>>) target_semaphore(%run_scoped3A_20 : memref<!tpu.dma_semaphore, #tpu.memory_space<semaphore_mem>>)
      %dma_wait3A = arith.constant 0 : i32
      %dma_wait3A_28 = arith.constant 0 : i32
      %dma_wait3A_29 = tpu.memref_slice %arg3[%run_scoped3A_1, %dma_wait3A, %dma_wait3A_28] : memref<2x128x16xf32, #tpu.memory_space<hbm>> -> memref<1x128x16xf32, #tpu.memory_space<hbm>>
      %dma_wait3A_30 = tpu.memref_squeeze %dma_wait3A_29 : memref<1x128x16xf32, #tpu.memory_space<hbm>> -> memref<128x16xf32, #tpu.memory_space<hbm>>
      %dma_wait3A_31 = arith.constant 0 : i32
      %dma_wait3A_32 = arith.constant 0 : i32
      %dma_wait3A_33 = tpu.memref_slice %arg3[%run_scoped3A_1, %dma_wait3A_31, %dma_wait3A_32] : memref<2x128x16xf32, #tpu.memory_space<hbm>> -> memref<1x128x16xf32, #tpu.memory_space<hbm>>
      %dma_wait3A_34 = tpu.memref_squeeze %dma_wait3A_33 : memref<1x128x16xf32, #tpu.memory_space<hbm>> -> memref<128x16xf32, #tpu.memory_space<hbm>>
      tpu.wait_dma2 semaphore(%run_scoped3A_20 : memref<!tpu.dma_semaphore, #tpu.memory_space<semaphore_mem>>) src(%dma_wait3A_34 : memref<128x16xf32, #tpu.memory_space<hbm>>) dst(%arg7 : memref<128x16xf32, #tpu.memory_space<vmem>>)
      tpu.yield
    }) : () -> ()
    %mul3A_2 = arith.constant 640 : i32
    %mul3A_3 = arith.muli %arg1, %mul3A_2 : i32
    %add3A_4 = arith.constant 0 : i32
    %add3A_5 = arith.addi %mul3A_3, %add3A_4 : i32
    "tpu.region"() ({
      %run_scoped3A_20 = tpu.sem_alloc : memref<!tpu.dma_semaphore, #tpu.memory_space<semaphore_mem>>
      %dma_start3A = arith.constant 0 : i32
      %dma_start3A_21 = tpu.memref_slice %arg8[%add3A_5, %dma_start3A] : memref<10240x16xf32, #tpu.memory_space<vmem_shared>> -> memref<128x16xf32, #tpu.memory_space<vmem_shared>>
      %dma_start3A_22 = arith.constant 0 : i32
      %dma_start3A_23 = tpu.memref_slice %arg8[%add3A_5, %dma_start3A_22] : memref<10240x16xf32, #tpu.memory_space<vmem_shared>> -> memref<128x16xf32, #tpu.memory_space<vmem_shared>>
      tpu.enqueue_dma source(%arg6 : memref<128x16xf32, #tpu.memory_space<vmem>>) target(%dma_start3A_23 : memref<128x16xf32, #tpu.memory_space<vmem_shared>>) target_semaphore(%run_scoped3A_20 : memref<!tpu.dma_semaphore, #tpu.memory_space<semaphore_mem>>)
      %dma_wait3A = arith.constant 0 : i32
      %dma_wait3A_24 = tpu.memref_slice %arg8[%add3A_5, %dma_wait3A] : memref<10240x16xf32, #tpu.memory_space<vmem_shared>> -> memref<128x16xf32, #tpu.memory_space<vmem_shared>>
      %dma_wait3A_25 = arith.constant 0 : i32
      %dma_wait3A_26 = tpu.memref_slice %arg8[%add3A_5, %dma_wait3A_25] : memref<10240x16xf32, #tpu.memory_space<vmem_shared>> -> memref<128x16xf32, #tpu.memory_space<vmem_shared>>
      tpu.wait_dma2 semaphore(%run_scoped3A_20 : memref<!tpu.dma_semaphore, #tpu.memory_space<semaphore_mem>>) src(%arg6 : memref<128x16xf32, #tpu.memory_space<vmem>>) dst(%dma_wait3A_26 : memref<128x16xf32, #tpu.memory_space<vmem_shared>>)
      tpu.yield
    }) : () -> ()
    %add3A_6 = arith.constant 128 : i32
    %add3A_7 = arith.addi %mul3A_3, %add3A_6 : i32
    "tpu.region"() ({
      %run_scoped3A_20 = tpu.sem_alloc : memref<!tpu.dma_semaphore, #tpu.memory_space<semaphore_mem>>
      %dma_start3A = arith.constant 0 : i32
      %dma_start3A_21 = tpu.memref_slice %arg8[%add3A_7, %dma_start3A] : memref<10240x16xf32, #tpu.memory_space<vmem_shared>> -> memref<128x16xf32, #tpu.memory_space<vmem_shared>>
      %dma_start3A_22 = arith.constant 0 : i32
      %dma_start3A_23 = tpu.memref_slice %arg8[%add3A_7, %dma_start3A_22] : memref<10240x16xf32, #tpu.memory_space<vmem_shared>> -> memref<128x16xf32, #tpu.memory_space<vmem_shared>>
      tpu.enqueue_dma source(%arg6 : memref<128x16xf32, #tpu.memory_space<vmem>>) target(%dma_start3A_23 : memref<128x16xf32, #tpu.memory_space<vmem_shared>>) target_semaphore(%run_scoped3A_20 : memref<!tpu.dma_semaphore, #tpu.memory_space<semaphore_mem>>)
      %dma_wait3A = arith.constant 0 : i32
      %dma_wait3A_24 = tpu.memref_slice %arg8[%add3A_7, %dma_wait3A] : memref<10240x16xf32, #tpu.memory_space<vmem_shared>> -> memref<128x16xf32, #tpu.memory_space<vmem_shared>>
      %dma_wait3A_25 = arith.constant 0 : i32
      %dma_wait3A_26 = tpu.memref_slice %arg8[%add3A_7, %dma_wait3A_25] : memref<10240x16xf32, #tpu.memory_space<vmem_shared>> -> memref<128x16xf32, #tpu.memory_space<vmem_shared>>
      tpu.wait_dma2 semaphore(%run_scoped3A_20 : memref<!tpu.dma_semaphore, #tpu.memory_space<semaphore_mem>>) src(%arg6 : memref<128x16xf32, #tpu.memory_space<vmem>>) dst(%dma_wait3A_26 : memref<128x16xf32, #tpu.memory_space<vmem_shared>>)
      tpu.yield
    }) : () -> ()
    %add3A_8 = arith.constant 256 : i32
    %add3A_9 = arith.addi %mul3A_3, %add3A_8 : i32
    "tpu.region"() ({
      %run_scoped3A_20 = tpu.sem_alloc : memref<!tpu.dma_semaphore, #tpu.memory_space<semaphore_mem>>
      %dma_start3A = arith.constant 0 : i32
      %dma_start3A_21 = tpu.memref_slice %arg8[%add3A_9, %dma_start3A] : memref<10240x16xf32, #tpu.memory_space<vmem_shared>> -> memref<128x16xf32, #tpu.memory_space<vmem_shared>>
      %dma_start3A_22 = arith.constant 0 : i32
      %dma_start3A_23 = tpu.memref_slice %arg8[%add3A_9, %dma_start3A_22] : memref<10240x16xf32, #tpu.memory_space<vmem_shared>> -> memref<128x16xf32, #tpu.memory_space<vmem_shared>>
      tpu.enqueue_dma source(%arg6 : memref<128x16xf32, #tpu.memory_space<vmem>>) target(%dma_start3A_23 : memref<128x16xf32, #tpu.memory_space<vmem_shared>>) target_semaphore(%run_scoped3A_20 : memref<!tpu.dma_semaphore, #tpu.memory_space<semaphore_mem>>)
      %dma_wait3A = arith.constant 0 : i32
      %dma_wait3A_24 = tpu.memref_slice %arg8[%add3A_9, %dma_wait3A] : memref<10240x16xf32, #tpu.memory_space<vmem_shared>> -> memref<128x16xf32, #tpu.memory_space<vmem_shared>>
      %dma_wait3A_25 = arith.constant 0 : i32
      %dma_wait3A_26 = tpu.memref_slice %arg8[%add3A_9, %dma_wait3A_25] : memref<10240x16xf32, #tpu.memory_space<vmem_shared>> -> memref<128x16xf32, #tpu.memory_space<vmem_shared>>
      tpu.wait_dma2 semaphore(%run_scoped3A_20 : memref<!tpu.dma_semaphore, #tpu.memory_space<semaphore_mem>>) src(%arg6 : memref<128x16xf32, #tpu.memory_space<vmem>>) dst(%dma_wait3A_26 : memref<128x16xf32, #tpu.memory_space<vmem_shared>>)
      tpu.yield
    }) : () -> ()
    %add3A_10 = arith.constant 384 : i32
    %add3A_11 = arith.addi %mul3A_3, %add3A_10 : i32
    "tpu.region"() ({
      %run_scoped3A_20 = tpu.sem_alloc : memref<!tpu.dma_semaphore, #tpu.memory_space<semaphore_mem>>
      %dma_start3A = arith.constant 0 : i32
      %dma_start3A_21 = tpu.memref_slice %arg8[%add3A_11, %dma_start3A] : memref<10240x16xf32, #tpu.memory_space<vmem_shared>> -> memref<128x16xf32, #tpu.memory_space<vmem_shared>>
      %dma_start3A_22 = arith.constant 0 : i32
      %dma_start3A_23 = tpu.memref_slice %arg8[%add3A_11, %dma_start3A_22] : memref<10240x16xf32, #tpu.memory_space<vmem_shared>> -> memref<128x16xf32, #tpu.memory_space<vmem_shared>>
      tpu.enqueue_dma source(%arg6 : memref<128x16xf32, #tpu.memory_space<vmem>>) target(%dma_start3A_23 : memref<128x16xf32, #tpu.memory_space<vmem_shared>>) target_semaphore(%run_scoped3A_20 : memref<!tpu.dma_semaphore, #tpu.memory_space<semaphore_mem>>)
      %dma_wait3A = arith.constant 0 : i32
      %dma_wait3A_24 = tpu.memref_slice %arg8[%add3A_11, %dma_wait3A] : memref<10240x16xf32, #tpu.memory_space<vmem_shared>> -> memref<128x16xf32, #tpu.memory_space<vmem_shared>>
      %dma_wait3A_25 = arith.constant 0 : i32
      %dma_wait3A_26 = tpu.memref_slice %arg8[%add3A_11, %dma_wait3A_25] : memref<10240x16xf32, #tpu.memory_space<vmem_shared>> -> memref<128x16xf32, #tpu.memory_space<vmem_shared>>
      tpu.wait_dma2 semaphore(%run_scoped3A_20 : memref<!tpu.dma_semaphore, #tpu.memory_space<semaphore_mem>>) src(%arg6 : memref<128x16xf32, #tpu.memory_space<vmem>>) dst(%dma_wait3A_26 : memref<128x16xf32, #tpu.memory_space<vmem_shared>>)
      tpu.yield
    }) : () -> ()
    %add3A_12 = arith.constant 512 : i32
    %add3A_13 = arith.addi %mul3A_3, %add3A_12 : i32
    "tpu.region"() ({
      %run_scoped3A_20 = tpu.sem_alloc : memref<!tpu.dma_semaphore, #tpu.memory_space<semaphore_mem>>
      %dma_start3A = arith.constant 0 : i32
      %dma_start3A_21 = tpu.memref_slice %arg8[%add3A_13, %dma_start3A] : memref<10240x16xf32, #tpu.memory_space<vmem_shared>> -> memref<128x16xf32, #tpu.memory_space<vmem_shared>>
      %dma_start3A_22 = arith.constant 0 : i32
      %dma_start3A_23 = tpu.memref_slice %arg8[%add3A_13, %dma_start3A_22] : memref<10240x16xf32, #tpu.memory_space<vmem_shared>> -> memref<128x16xf32, #tpu.memory_space<vmem_shared>>
      tpu.enqueue_dma source(%arg6 : memref<128x16xf32, #tpu.memory_space<vmem>>) target(%dma_start3A_23 : memref<128x16xf32, #tpu.memory_space<vmem_shared>>) target_semaphore(%run_scoped3A_20 : memref<!tpu.dma_semaphore, #tpu.memory_space<semaphore_mem>>)
      %dma_wait3A = arith.constant 0 : i32
      %dma_wait3A_24 = tpu.memref_slice %arg8[%add3A_13, %dma_wait3A] : memref<10240x16xf32, #tpu.memory_space<vmem_shared>> -> memref<128x16xf32, #tpu.memory_space<vmem_shared>>
      %dma_wait3A_25 = arith.constant 0 : i32
      %dma_wait3A_26 = tpu.memref_slice %arg8[%add3A_13, %dma_wait3A_25] : memref<10240x16xf32, #tpu.memory_space<vmem_shared>> -> memref<128x16xf32, #tpu.memory_space<vmem_shared>>
      tpu.wait_dma2 semaphore(%run_scoped3A_20 : memref<!tpu.dma_semaphore, #tpu.memory_space<semaphore_mem>>) src(%arg6 : memref<128x16xf32, #tpu.memory_space<vmem>>) dst(%dma_wait3A_26 : memref<128x16xf32, #tpu.memory_space<vmem_shared>>)
      tpu.yield
    }) : () -> ()
    %barrier3A = arith.constant 0 : index
    tpu.barrier barrier_id(%barrier3A)
    %scan3A = arith.constant 0 : i32
    %scan3A_14 = arith.constant 0 : i32
    %scan3A_15 = arith.constant 80 : i32
    %scan3A_16 = arith.addi %scan3A_14, %scan3A_15 : i32
    %scan3A_17 = arith.constant 1 : i32
    scf.for %scan3A_20 = %scan3A_14 to %scan3A_16 step %scan3A_17  : i32 {
      "tpu.region"() ({
        %run_scoped3A_21 = tpu.sem_alloc : memref<!tpu.dma_semaphore, #tpu.memory_space<semaphore_mem>>
        %dma_start3A = arith.constant 0 : i32
        %dma_start3A_22 = tpu.memref_slice %arg5[%scan3A_20, %dma_start3A] : memref<80x128xi32, #tpu.memory_space<vmem>> -> memref<1x128xi32, #tpu.memory_space<vmem>>
        %dma_start3A_23 = tpu.memref_squeeze %dma_start3A_22 : memref<1x128xi32, #tpu.memory_space<vmem>> -> memref<128xi32, #tpu.memory_space<vmem>>
        %dma_start3A_24 = arith.constant 0 : i32
        %dma_start3A_25 = arith.constant 0 : i32
        %dma_start3A_26 = tpu.memref_slice %arg8[%dma_start3A_24, %dma_start3A_25] : memref<10240x16xf32, #tpu.memory_space<vmem_shared>> -> memref<10240x16xf32, #tpu.memory_space<vmem_shared>>
        tpu.enqueue_indirect_dma source(%arg7 : memref<128x16xf32, #tpu.memory_space<vmem>>) target(%dma_start3A_26 : memref<10240x16xf32, #tpu.memory_space<vmem_shared>>) offsets(%dma_start3A_23 : memref<128xi32, #tpu.memory_space<vmem>>) semaphore(%run_scoped3A_21 : memref<!tpu.dma_semaphore, #tpu.memory_space<semaphore_mem>>) {add = true}
        %dma_wait3A = arith.constant 0 : i32
        %dma_wait3A_27 = tpu.memref_slice %arg5[%scan3A_20, %dma_wait3A] : memref<80x128xi32, #tpu.memory_space<vmem>> -> memref<1x128xi32, #tpu.memory_space<vmem>>
        %dma_wait3A_28 = tpu.memref_squeeze %dma_wait3A_27 : memref<1x128xi32, #tpu.memory_space<vmem>> -> memref<128xi32, #tpu.memory_space<vmem>>
        %dma_wait3A_29 = arith.constant 0 : i32
        %dma_wait3A_30 = arith.constant 0 : i32
        %dma_wait3A_31 = tpu.memref_slice %arg8[%dma_wait3A_29, %dma_wait3A_30] : memref<10240x16xf32, #tpu.memory_space<vmem_shared>> -> memref<10240x16xf32, #tpu.memory_space<vmem_shared>>
        tpu.wait_indirect_dma semaphore(%run_scoped3A_21 : memref<!tpu.dma_semaphore, #tpu.memory_space<semaphore_mem>>) src(%arg7 : memref<128x16xf32, #tpu.memory_space<vmem>>) dst(%dma_wait3A_31 : memref<10240x16xf32, #tpu.memory_space<vmem_shared>>)
        tpu.yield
      }) : () -> ()
    }
    %scan3A_18 = arith.constant 80 : i32
    %barrier3A_19 = arith.constant 0 : index
    tpu.barrier barrier_id(%barrier3A_19)
    "tpu.region"() ({
      %run_scoped3A_20 = tpu.sem_alloc : memref<!tpu.dma_semaphore, #tpu.memory_space<semaphore_mem>>
      %dma_start3A = arith.constant 0 : i32
      %dma_start3A_21 = tpu.memref_slice %arg4[%arg0, %mul3A_3, %dma_start3A] : memref<2x10240x16xf32, #tpu.memory_space<hbm>> -> memref<1x640x16xf32, #tpu.memory_space<hbm>>
      %dma_start3A_22 = tpu.memref_squeeze %dma_start3A_21 : memref<1x640x16xf32, #tpu.memory_space<hbm>> -> memref<640x16xf32, #tpu.memory_space<hbm>>
      %dma_start3A_23 = arith.constant 0 : i32
      %dma_start3A_24 = tpu.memref_slice %arg8[%mul3A_3, %dma_start3A_23] : memref<10240x16xf32, #tpu.memory_space<vmem_shared>> -> memref<640x16xf32, #tpu.memory_space<vmem_shared>>
      tpu.enqueue_dma source(%dma_start3A_24 : memref<640x16xf32, #tpu.memory_space<vmem_shared>>) target(%dma_start3A_22 : memref<640x16xf32, #tpu.memory_space<hbm>>) target_semaphore(%run_scoped3A_20 : memref<!tpu.dma_semaphore, #tpu.memory_space<semaphore_mem>>)
      %dma_wait3A = arith.constant 0 : i32
      %dma_wait3A_25 = tpu.memref_slice %arg4[%arg0, %mul3A_3, %dma_wait3A] : memref<2x10240x16xf32, #tpu.memory_space<hbm>> -> memref<1x640x16xf32, #tpu.memory_space<hbm>>
      %dma_wait3A_26 = tpu.memref_squeeze %dma_wait3A_25 : memref<1x640x16xf32, #tpu.memory_space<hbm>> -> memref<640x16xf32, #tpu.memory_space<hbm>>
      %dma_wait3A_27 = arith.constant 0 : i32
      %dma_wait3A_28 = tpu.memref_slice %arg8[%mul3A_3, %dma_wait3A_27] : memref<10240x16xf32, #tpu.memory_space<vmem_shared>> -> memref<640x16xf32, #tpu.memory_space<vmem_shared>>
      tpu.wait_dma2 semaphore(%run_scoped3A_20 : memref<!tpu.dma_semaphore, #tpu.memory_space<semaphore_mem>>) src(%dma_wait3A_28 : memref<640x16xf32, #tpu.memory_space<vmem_shared>>) dst(%dma_wait3A_26 : memref<640x16xf32, #tpu.memory_space<hbm>>)
      tpu.yield
    }) : () -> ()
    return
  }
}

#map = affine_map<(d0, d1) -> (0, 0)>
#map1 = affine_map<(d0, d1) -> (0, 0, 0)>
module attributes {stable_mosaic.version = 14 : i64} {
  func.func @prop_kernel(%arg0: i32, %arg1: i32, %arg2: memref<10000x128xf32, #tpu.memory_space<hbm>>, %arg3: memref<32x80x128xi32, #tpu.memory_space<hbm>>, %arg4: memref<32x80x128xi32, #tpu.memory_space<hbm>>, %arg5: memref<128x128xf32, #tpu.memory_space<hbm>>, %arg6: memref<2x10240x128xf32, #tpu.memory_space<hbm>>, %arg7: memref<80x128xi32, #tpu.memory_space<vmem>>, %arg8: memref<80x128xi32, #tpu.memory_space<vmem>>, %arg9: memref<128x128xf32, #tpu.memory_space<vmem>>, %arg10: memref<10240x128xf32, #tpu.memory_space<vmem_shared>>, %arg11: memref<!tpu.dma_semaphore, #tpu.memory_space<semaphore_mem>>) attributes {dimension_semantics = [#tpu.dimension_semantics<core_parallel>, #tpu.dimension_semantics<subcore_parallel>], iteration_bounds = array<i64: 2, 16>, scalar_prefetch = 0 : i64, scratch_operands = 5 : i64, tpu.core_type = #tpu.core_type<sc_vector_subcore>, window_params = [{transform_indices = #map}, {transform_indices = #map1}, {transform_indices = #map1}, {transform_indices = #map}, {transform_indices = #map1}]} {
    %mul3A = arith.constant 2 : i32
    %mul3A_0 = arith.muli %arg1, %mul3A : i32
    %add3A = arith.addi %mul3A_0, %arg0 : i32
    "tpu.region"() ({
      %run_scoped3A = tpu.sem_alloc : memref<!tpu.dma_semaphore, #tpu.memory_space<semaphore_mem>>
      %dma_start3A = arith.constant 0 : i32
      %dma_start3A_19 = arith.constant 0 : i32
      %dma_start3A_20 = tpu.memref_slice %arg3[%add3A, %dma_start3A, %dma_start3A_19] : memref<32x80x128xi32, #tpu.memory_space<hbm>> -> memref<1x80x128xi32, #tpu.memory_space<hbm>>
      %dma_start3A_21 = tpu.memref_squeeze %dma_start3A_20 : memref<1x80x128xi32, #tpu.memory_space<hbm>> -> memref<80x128xi32, #tpu.memory_space<hbm>>
      %dma_start3A_22 = arith.constant 0 : i32
      %dma_start3A_23 = arith.constant 0 : i32
      %dma_start3A_24 = tpu.memref_slice %arg3[%add3A, %dma_start3A_22, %dma_start3A_23] : memref<32x80x128xi32, #tpu.memory_space<hbm>> -> memref<1x80x128xi32, #tpu.memory_space<hbm>>
      %dma_start3A_25 = tpu.memref_squeeze %dma_start3A_24 : memref<1x80x128xi32, #tpu.memory_space<hbm>> -> memref<80x128xi32, #tpu.memory_space<hbm>>
      tpu.enqueue_dma source(%dma_start3A_25 : memref<80x128xi32, #tpu.memory_space<hbm>>) target(%arg7 : memref<80x128xi32, #tpu.memory_space<vmem>>) target_semaphore(%run_scoped3A : memref<!tpu.dma_semaphore, #tpu.memory_space<semaphore_mem>>)
      %dma_wait3A = arith.constant 0 : i32
      %dma_wait3A_26 = arith.constant 0 : i32
      %dma_wait3A_27 = tpu.memref_slice %arg3[%add3A, %dma_wait3A, %dma_wait3A_26] : memref<32x80x128xi32, #tpu.memory_space<hbm>> -> memref<1x80x128xi32, #tpu.memory_space<hbm>>
      %dma_wait3A_28 = tpu.memref_squeeze %dma_wait3A_27 : memref<1x80x128xi32, #tpu.memory_space<hbm>> -> memref<80x128xi32, #tpu.memory_space<hbm>>
      %dma_wait3A_29 = arith.constant 0 : i32
      %dma_wait3A_30 = arith.constant 0 : i32
      %dma_wait3A_31 = tpu.memref_slice %arg3[%add3A, %dma_wait3A_29, %dma_wait3A_30] : memref<32x80x128xi32, #tpu.memory_space<hbm>> -> memref<1x80x128xi32, #tpu.memory_space<hbm>>
      %dma_wait3A_32 = tpu.memref_squeeze %dma_wait3A_31 : memref<1x80x128xi32, #tpu.memory_space<hbm>> -> memref<80x128xi32, #tpu.memory_space<hbm>>
      tpu.wait_dma2 semaphore(%run_scoped3A : memref<!tpu.dma_semaphore, #tpu.memory_space<semaphore_mem>>) src(%dma_wait3A_32 : memref<80x128xi32, #tpu.memory_space<hbm>>) dst(%arg7 : memref<80x128xi32, #tpu.memory_space<vmem>>)
      tpu.yield
    }) : () -> ()
    "tpu.region"() ({
      %run_scoped3A = tpu.sem_alloc : memref<!tpu.dma_semaphore, #tpu.memory_space<semaphore_mem>>
      %dma_start3A = arith.constant 0 : i32
      %dma_start3A_19 = arith.constant 0 : i32
      %dma_start3A_20 = tpu.memref_slice %arg4[%add3A, %dma_start3A, %dma_start3A_19] : memref<32x80x128xi32, #tpu.memory_space<hbm>> -> memref<1x80x128xi32, #tpu.memory_space<hbm>>
      %dma_start3A_21 = tpu.memref_squeeze %dma_start3A_20 : memref<1x80x128xi32, #tpu.memory_space<hbm>> -> memref<80x128xi32, #tpu.memory_space<hbm>>
      %dma_start3A_22 = arith.constant 0 : i32
      %dma_start3A_23 = arith.constant 0 : i32
      %dma_start3A_24 = tpu.memref_slice %arg4[%add3A, %dma_start3A_22, %dma_start3A_23] : memref<32x80x128xi32, #tpu.memory_space<hbm>> -> memref<1x80x128xi32, #tpu.memory_space<hbm>>
      %dma_start3A_25 = tpu.memref_squeeze %dma_start3A_24 : memref<1x80x128xi32, #tpu.memory_space<hbm>> -> memref<80x128xi32, #tpu.memory_space<hbm>>
      tpu.enqueue_dma source(%dma_start3A_25 : memref<80x128xi32, #tpu.memory_space<hbm>>) target(%arg8 : memref<80x128xi32, #tpu.memory_space<vmem>>) target_semaphore(%run_scoped3A : memref<!tpu.dma_semaphore, #tpu.memory_space<semaphore_mem>>)
      %dma_wait3A = arith.constant 0 : i32
      %dma_wait3A_26 = arith.constant 0 : i32
      %dma_wait3A_27 = tpu.memref_slice %arg4[%add3A, %dma_wait3A, %dma_wait3A_26] : memref<32x80x128xi32, #tpu.memory_space<hbm>> -> memref<1x80x128xi32, #tpu.memory_space<hbm>>
      %dma_wait3A_28 = tpu.memref_squeeze %dma_wait3A_27 : memref<1x80x128xi32, #tpu.memory_space<hbm>> -> memref<80x128xi32, #tpu.memory_space<hbm>>
      %dma_wait3A_29 = arith.constant 0 : i32
      %dma_wait3A_30 = arith.constant 0 : i32
      %dma_wait3A_31 = tpu.memref_slice %arg4[%add3A, %dma_wait3A_29, %dma_wait3A_30] : memref<32x80x128xi32, #tpu.memory_space<hbm>> -> memref<1x80x128xi32, #tpu.memory_space<hbm>>
      %dma_wait3A_32 = tpu.memref_squeeze %dma_wait3A_31 : memref<1x80x128xi32, #tpu.memory_space<hbm>> -> memref<80x128xi32, #tpu.memory_space<hbm>>
      tpu.wait_dma2 semaphore(%run_scoped3A : memref<!tpu.dma_semaphore, #tpu.memory_space<semaphore_mem>>) src(%dma_wait3A_32 : memref<80x128xi32, #tpu.memory_space<hbm>>) dst(%arg8 : memref<80x128xi32, #tpu.memory_space<vmem>>)
      tpu.yield
    }) : () -> ()
    "tpu.region"() ({
      %run_scoped3A = tpu.sem_alloc : memref<!tpu.dma_semaphore, #tpu.memory_space<semaphore_mem>>
      tpu.enqueue_dma source(%arg5 : memref<128x128xf32, #tpu.memory_space<hbm>>) target(%arg9 : memref<128x128xf32, #tpu.memory_space<vmem>>) target_semaphore(%run_scoped3A : memref<!tpu.dma_semaphore, #tpu.memory_space<semaphore_mem>>)
      tpu.wait_dma2 semaphore(%run_scoped3A : memref<!tpu.dma_semaphore, #tpu.memory_space<semaphore_mem>>) src(%arg5 : memref<128x128xf32, #tpu.memory_space<hbm>>) dst(%arg9 : memref<128x128xf32, #tpu.memory_space<vmem>>)
      tpu.yield
    }) : () -> ()
    %mul3A_1 = arith.constant 640 : i32
    %mul3A_2 = arith.muli %arg1, %mul3A_1 : i32
    %add3A_3 = arith.constant 0 : i32
    %add3A_4 = arith.addi %mul3A_2, %add3A_3 : i32
    "tpu.region"() ({
      %run_scoped3A = tpu.sem_alloc : memref<!tpu.dma_semaphore, #tpu.memory_space<semaphore_mem>>
      %dma_start3A = arith.constant 0 : i32
      %dma_start3A_19 = tpu.memref_slice %arg10[%add3A_4, %dma_start3A] : memref<10240x128xf32, #tpu.memory_space<vmem_shared>> -> memref<128x128xf32, #tpu.memory_space<vmem_shared>>
      %dma_start3A_20 = arith.constant 0 : i32
      %dma_start3A_21 = tpu.memref_slice %arg10[%add3A_4, %dma_start3A_20] : memref<10240x128xf32, #tpu.memory_space<vmem_shared>> -> memref<128x128xf32, #tpu.memory_space<vmem_shared>>
      tpu.enqueue_dma source(%arg9 : memref<128x128xf32, #tpu.memory_space<vmem>>) target(%dma_start3A_21 : memref<128x128xf32, #tpu.memory_space<vmem_shared>>) target_semaphore(%run_scoped3A : memref<!tpu.dma_semaphore, #tpu.memory_space<semaphore_mem>>)
      %dma_wait3A = arith.constant 0 : i32
      %dma_wait3A_22 = tpu.memref_slice %arg10[%add3A_4, %dma_wait3A] : memref<10240x128xf32, #tpu.memory_space<vmem_shared>> -> memref<128x128xf32, #tpu.memory_space<vmem_shared>>
      %dma_wait3A_23 = arith.constant 0 : i32
      %dma_wait3A_24 = tpu.memref_slice %arg10[%add3A_4, %dma_wait3A_23] : memref<10240x128xf32, #tpu.memory_space<vmem_shared>> -> memref<128x128xf32, #tpu.memory_space<vmem_shared>>
      tpu.wait_dma2 semaphore(%run_scoped3A : memref<!tpu.dma_semaphore, #tpu.memory_space<semaphore_mem>>) src(%arg9 : memref<128x128xf32, #tpu.memory_space<vmem>>) dst(%dma_wait3A_24 : memref<128x128xf32, #tpu.memory_space<vmem_shared>>)
      tpu.yield
    }) : () -> ()
    %add3A_5 = arith.constant 128 : i32
    %add3A_6 = arith.addi %mul3A_2, %add3A_5 : i32
    "tpu.region"() ({
      %run_scoped3A = tpu.sem_alloc : memref<!tpu.dma_semaphore, #tpu.memory_space<semaphore_mem>>
      %dma_start3A = arith.constant 0 : i32
      %dma_start3A_19 = tpu.memref_slice %arg10[%add3A_6, %dma_start3A] : memref<10240x128xf32, #tpu.memory_space<vmem_shared>> -> memref<128x128xf32, #tpu.memory_space<vmem_shared>>
      %dma_start3A_20 = arith.constant 0 : i32
      %dma_start3A_21 = tpu.memref_slice %arg10[%add3A_6, %dma_start3A_20] : memref<10240x128xf32, #tpu.memory_space<vmem_shared>> -> memref<128x128xf32, #tpu.memory_space<vmem_shared>>
      tpu.enqueue_dma source(%arg9 : memref<128x128xf32, #tpu.memory_space<vmem>>) target(%dma_start3A_21 : memref<128x128xf32, #tpu.memory_space<vmem_shared>>) target_semaphore(%run_scoped3A : memref<!tpu.dma_semaphore, #tpu.memory_space<semaphore_mem>>)
      %dma_wait3A = arith.constant 0 : i32
      %dma_wait3A_22 = tpu.memref_slice %arg10[%add3A_6, %dma_wait3A] : memref<10240x128xf32, #tpu.memory_space<vmem_shared>> -> memref<128x128xf32, #tpu.memory_space<vmem_shared>>
      %dma_wait3A_23 = arith.constant 0 : i32
      %dma_wait3A_24 = tpu.memref_slice %arg10[%add3A_6, %dma_wait3A_23] : memref<10240x128xf32, #tpu.memory_space<vmem_shared>> -> memref<128x128xf32, #tpu.memory_space<vmem_shared>>
      tpu.wait_dma2 semaphore(%run_scoped3A : memref<!tpu.dma_semaphore, #tpu.memory_space<semaphore_mem>>) src(%arg9 : memref<128x128xf32, #tpu.memory_space<vmem>>) dst(%dma_wait3A_24 : memref<128x128xf32, #tpu.memory_space<vmem_shared>>)
      tpu.yield
    }) : () -> ()
    %add3A_7 = arith.constant 256 : i32
    %add3A_8 = arith.addi %mul3A_2, %add3A_7 : i32
    "tpu.region"() ({
      %run_scoped3A = tpu.sem_alloc : memref<!tpu.dma_semaphore, #tpu.memory_space<semaphore_mem>>
      %dma_start3A = arith.constant 0 : i32
      %dma_start3A_19 = tpu.memref_slice %arg10[%add3A_8, %dma_start3A] : memref<10240x128xf32, #tpu.memory_space<vmem_shared>> -> memref<128x128xf32, #tpu.memory_space<vmem_shared>>
      %dma_start3A_20 = arith.constant 0 : i32
      %dma_start3A_21 = tpu.memref_slice %arg10[%add3A_8, %dma_start3A_20] : memref<10240x128xf32, #tpu.memory_space<vmem_shared>> -> memref<128x128xf32, #tpu.memory_space<vmem_shared>>
      tpu.enqueue_dma source(%arg9 : memref<128x128xf32, #tpu.memory_space<vmem>>) target(%dma_start3A_21 : memref<128x128xf32, #tpu.memory_space<vmem_shared>>) target_semaphore(%run_scoped3A : memref<!tpu.dma_semaphore, #tpu.memory_space<semaphore_mem>>)
      %dma_wait3A = arith.constant 0 : i32
      %dma_wait3A_22 = tpu.memref_slice %arg10[%add3A_8, %dma_wait3A] : memref<10240x128xf32, #tpu.memory_space<vmem_shared>> -> memref<128x128xf32, #tpu.memory_space<vmem_shared>>
      %dma_wait3A_23 = arith.constant 0 : i32
      %dma_wait3A_24 = tpu.memref_slice %arg10[%add3A_8, %dma_wait3A_23] : memref<10240x128xf32, #tpu.memory_space<vmem_shared>> -> memref<128x128xf32, #tpu.memory_space<vmem_shared>>
      tpu.wait_dma2 semaphore(%run_scoped3A : memref<!tpu.dma_semaphore, #tpu.memory_space<semaphore_mem>>) src(%arg9 : memref<128x128xf32, #tpu.memory_space<vmem>>) dst(%dma_wait3A_24 : memref<128x128xf32, #tpu.memory_space<vmem_shared>>)
      tpu.yield
    }) : () -> ()
    %add3A_9 = arith.constant 384 : i32
    %add3A_10 = arith.addi %mul3A_2, %add3A_9 : i32
    "tpu.region"() ({
      %run_scoped3A = tpu.sem_alloc : memref<!tpu.dma_semaphore, #tpu.memory_space<semaphore_mem>>
      %dma_start3A = arith.constant 0 : i32
      %dma_start3A_19 = tpu.memref_slice %arg10[%add3A_10, %dma_start3A] : memref<10240x128xf32, #tpu.memory_space<vmem_shared>> -> memref<128x128xf32, #tpu.memory_space<vmem_shared>>
      %dma_start3A_20 = arith.constant 0 : i32
      %dma_start3A_21 = tpu.memref_slice %arg10[%add3A_10, %dma_start3A_20] : memref<10240x128xf32, #tpu.memory_space<vmem_shared>> -> memref<128x128xf32, #tpu.memory_space<vmem_shared>>
      tpu.enqueue_dma source(%arg9 : memref<128x128xf32, #tpu.memory_space<vmem>>) target(%dma_start3A_21 : memref<128x128xf32, #tpu.memory_space<vmem_shared>>) target_semaphore(%run_scoped3A : memref<!tpu.dma_semaphore, #tpu.memory_space<semaphore_mem>>)
      %dma_wait3A = arith.constant 0 : i32
      %dma_wait3A_22 = tpu.memref_slice %arg10[%add3A_10, %dma_wait3A] : memref<10240x128xf32, #tpu.memory_space<vmem_shared>> -> memref<128x128xf32, #tpu.memory_space<vmem_shared>>
      %dma_wait3A_23 = arith.constant 0 : i32
      %dma_wait3A_24 = tpu.memref_slice %arg10[%add3A_10, %dma_wait3A_23] : memref<10240x128xf32, #tpu.memory_space<vmem_shared>> -> memref<128x128xf32, #tpu.memory_space<vmem_shared>>
      tpu.wait_dma2 semaphore(%run_scoped3A : memref<!tpu.dma_semaphore, #tpu.memory_space<semaphore_mem>>) src(%arg9 : memref<128x128xf32, #tpu.memory_space<vmem>>) dst(%dma_wait3A_24 : memref<128x128xf32, #tpu.memory_space<vmem_shared>>)
      tpu.yield
    }) : () -> ()
    %add3A_11 = arith.constant 512 : i32
    %add3A_12 = arith.addi %mul3A_2, %add3A_11 : i32
    "tpu.region"() ({
      %run_scoped3A = tpu.sem_alloc : memref<!tpu.dma_semaphore, #tpu.memory_space<semaphore_mem>>
      %dma_start3A = arith.constant 0 : i32
      %dma_start3A_19 = tpu.memref_slice %arg10[%add3A_12, %dma_start3A] : memref<10240x128xf32, #tpu.memory_space<vmem_shared>> -> memref<128x128xf32, #tpu.memory_space<vmem_shared>>
      %dma_start3A_20 = arith.constant 0 : i32
      %dma_start3A_21 = tpu.memref_slice %arg10[%add3A_12, %dma_start3A_20] : memref<10240x128xf32, #tpu.memory_space<vmem_shared>> -> memref<128x128xf32, #tpu.memory_space<vmem_shared>>
      tpu.enqueue_dma source(%arg9 : memref<128x128xf32, #tpu.memory_space<vmem>>) target(%dma_start3A_21 : memref<128x128xf32, #tpu.memory_space<vmem_shared>>) target_semaphore(%run_scoped3A : memref<!tpu.dma_semaphore, #tpu.memory_space<semaphore_mem>>)
      %dma_wait3A = arith.constant 0 : i32
      %dma_wait3A_22 = tpu.memref_slice %arg10[%add3A_12, %dma_wait3A] : memref<10240x128xf32, #tpu.memory_space<vmem_shared>> -> memref<128x128xf32, #tpu.memory_space<vmem_shared>>
      %dma_wait3A_23 = arith.constant 0 : i32
      %dma_wait3A_24 = tpu.memref_slice %arg10[%add3A_12, %dma_wait3A_23] : memref<10240x128xf32, #tpu.memory_space<vmem_shared>> -> memref<128x128xf32, #tpu.memory_space<vmem_shared>>
      tpu.wait_dma2 semaphore(%run_scoped3A : memref<!tpu.dma_semaphore, #tpu.memory_space<semaphore_mem>>) src(%arg9 : memref<128x128xf32, #tpu.memory_space<vmem>>) dst(%dma_wait3A_24 : memref<128x128xf32, #tpu.memory_space<vmem_shared>>)
      tpu.yield
    }) : () -> ()
    %barrier3A = arith.constant 0 : index
    tpu.barrier barrier_id(%barrier3A)
    %scan3A = arith.constant 0 : i32
    %scan3A_13 = arith.constant 0 : i32
    %scan3A_14 = arith.constant 80 : i32
    %scan3A_15 = arith.addi %scan3A_13, %scan3A_14 : i32
    %scan3A_16 = arith.constant 1 : i32
    scf.for %scan3A_19 = %scan3A_13 to %scan3A_15 step %scan3A_16  : i32 {
      %dma_start3A = arith.constant 0 : i32
      %dma_start3A_20 = tpu.memref_slice %arg7[%scan3A_19, %dma_start3A] : memref<80x128xi32, #tpu.memory_space<vmem>> -> memref<1x128xi32, #tpu.memory_space<vmem>>
      %dma_start3A_21 = tpu.memref_squeeze %dma_start3A_20 : memref<1x128xi32, #tpu.memory_space<vmem>> -> memref<128xi32, #tpu.memory_space<vmem>>
      %dma_start3A_22 = arith.constant 0 : i32
      %dma_start3A_23 = arith.constant 0 : i32
      %dma_start3A_24 = tpu.memref_slice %arg2[%dma_start3A_22, %dma_start3A_23] : memref<10000x128xf32, #tpu.memory_space<hbm>> -> memref<10000x128xf32, #tpu.memory_space<hbm>>
      tpu.enqueue_indirect_dma source(%dma_start3A_24 : memref<10000x128xf32, #tpu.memory_space<hbm>>) target(%arg9 : memref<128x128xf32, #tpu.memory_space<vmem>>) offsets(%dma_start3A_21 : memref<128xi32, #tpu.memory_space<vmem>>) semaphore(%arg11 : memref<!tpu.dma_semaphore, #tpu.memory_space<semaphore_mem>>)
      %dma_wait3A = arith.constant 0 : i32
      %dma_wait3A_25 = tpu.memref_slice %arg7[%scan3A_19, %dma_wait3A] : memref<80x128xi32, #tpu.memory_space<vmem>> -> memref<1x128xi32, #tpu.memory_space<vmem>>
      %dma_wait3A_26 = tpu.memref_squeeze %dma_wait3A_25 : memref<1x128xi32, #tpu.memory_space<vmem>> -> memref<128xi32, #tpu.memory_space<vmem>>
      %dma_wait3A_27 = arith.constant 0 : i32
      %dma_wait3A_28 = arith.constant 0 : i32
      %dma_wait3A_29 = tpu.memref_slice %arg2[%dma_wait3A_27, %dma_wait3A_28] : memref<10000x128xf32, #tpu.memory_space<hbm>> -> memref<10000x128xf32, #tpu.memory_space<hbm>>
      tpu.wait_indirect_dma semaphore(%arg11 : memref<!tpu.dma_semaphore, #tpu.memory_space<semaphore_mem>>) src(%dma_wait3A_29 : memref<10000x128xf32, #tpu.memory_space<hbm>>) dst(%arg9 : memref<128x128xf32, #tpu.memory_space<vmem>>)
      "tpu.region"() ({
        %run_scoped3A = tpu.sem_alloc : memref<!tpu.dma_semaphore, #tpu.memory_space<semaphore_mem>>
        %dma_start3A_30 = arith.constant 0 : i32
        %dma_start3A_31 = tpu.memref_slice %arg8[%scan3A_19, %dma_start3A_30] : memref<80x128xi32, #tpu.memory_space<vmem>> -> memref<1x128xi32, #tpu.memory_space<vmem>>
        %dma_start3A_32 = tpu.memref_squeeze %dma_start3A_31 : memref<1x128xi32, #tpu.memory_space<vmem>> -> memref<128xi32, #tpu.memory_space<vmem>>
        %dma_start3A_33 = arith.constant 0 : i32
        %dma_start3A_34 = arith.constant 0 : i32
        %dma_start3A_35 = tpu.memref_slice %arg10[%dma_start3A_33, %dma_start3A_34] : memref<10240x128xf32, #tpu.memory_space<vmem_shared>> -> memref<10240x128xf32, #tpu.memory_space<vmem_shared>>
        tpu.enqueue_indirect_dma source(%arg9 : memref<128x128xf32, #tpu.memory_space<vmem>>) target(%dma_start3A_35 : memref<10240x128xf32, #tpu.memory_space<vmem_shared>>) offsets(%dma_start3A_32 : memref<128xi32, #tpu.memory_space<vmem>>) semaphore(%run_scoped3A : memref<!tpu.dma_semaphore, #tpu.memory_space<semaphore_mem>>) {add = true}
        %dma_wait3A_36 = arith.constant 0 : i32
        %dma_wait3A_37 = tpu.memref_slice %arg8[%scan3A_19, %dma_wait3A_36] : memref<80x128xi32, #tpu.memory_space<vmem>> -> memref<1x128xi32, #tpu.memory_space<vmem>>
        %dma_wait3A_38 = tpu.memref_squeeze %dma_wait3A_37 : memref<1x128xi32, #tpu.memory_space<vmem>> -> memref<128xi32, #tpu.memory_space<vmem>>
        %dma_wait3A_39 = arith.constant 0 : i32
        %dma_wait3A_40 = arith.constant 0 : i32
        %dma_wait3A_41 = tpu.memref_slice %arg10[%dma_wait3A_39, %dma_wait3A_40] : memref<10240x128xf32, #tpu.memory_space<vmem_shared>> -> memref<10240x128xf32, #tpu.memory_space<vmem_shared>>
        tpu.wait_indirect_dma semaphore(%run_scoped3A : memref<!tpu.dma_semaphore, #tpu.memory_space<semaphore_mem>>) src(%arg9 : memref<128x128xf32, #tpu.memory_space<vmem>>) dst(%dma_wait3A_41 : memref<10240x128xf32, #tpu.memory_space<vmem_shared>>)
        tpu.yield
      }) : () -> ()
    }
    %scan3A_17 = arith.constant 80 : i32
    %barrier3A_18 = arith.constant 0 : index
    tpu.barrier barrier_id(%barrier3A_18)
    "tpu.region"() ({
      %run_scoped3A = tpu.sem_alloc : memref<!tpu.dma_semaphore, #tpu.memory_space<semaphore_mem>>
      %dma_start3A = arith.constant 0 : i32
      %dma_start3A_19 = tpu.memref_slice %arg6[%arg0, %mul3A_2, %dma_start3A] : memref<2x10240x128xf32, #tpu.memory_space<hbm>> -> memref<1x640x128xf32, #tpu.memory_space<hbm>>
      %dma_start3A_20 = tpu.memref_squeeze %dma_start3A_19 : memref<1x640x128xf32, #tpu.memory_space<hbm>> -> memref<640x128xf32, #tpu.memory_space<hbm>>
      %dma_start3A_21 = arith.constant 0 : i32
      %dma_start3A_22 = tpu.memref_slice %arg10[%mul3A_2, %dma_start3A_21] : memref<10240x128xf32, #tpu.memory_space<vmem_shared>> -> memref<640x128xf32, #tpu.memory_space<vmem_shared>>
      tpu.enqueue_dma source(%dma_start3A_22 : memref<640x128xf32, #tpu.memory_space<vmem_shared>>) target(%dma_start3A_20 : memref<640x128xf32, #tpu.memory_space<hbm>>) target_semaphore(%run_scoped3A : memref<!tpu.dma_semaphore, #tpu.memory_space<semaphore_mem>>)
      %dma_wait3A = arith.constant 0 : i32
      %dma_wait3A_23 = tpu.memref_slice %arg6[%arg0, %mul3A_2, %dma_wait3A] : memref<2x10240x128xf32, #tpu.memory_space<hbm>> -> memref<1x640x128xf32, #tpu.memory_space<hbm>>
      %dma_wait3A_24 = tpu.memref_squeeze %dma_wait3A_23 : memref<1x640x128xf32, #tpu.memory_space<hbm>> -> memref<640x128xf32, #tpu.memory_space<hbm>>
      %dma_wait3A_25 = arith.constant 0 : i32
      %dma_wait3A_26 = tpu.memref_slice %arg10[%mul3A_2, %dma_wait3A_25] : memref<10240x128xf32, #tpu.memory_space<vmem_shared>> -> memref<640x128xf32, #tpu.memory_space<vmem_shared>>
      tpu.wait_dma2 semaphore(%run_scoped3A : memref<!tpu.dma_semaphore, #tpu.memory_space<semaphore_mem>>) src(%dma_wait3A_26 : memref<640x128xf32, #tpu.memory_space<vmem_shared>>) dst(%dma_wait3A_24 : memref<640x128xf32, #tpu.memory_space<hbm>>)
      tpu.yield
    }) : () -> ()
    return
  }
}

module attributes {stable_mosaic.version = 14 : i64} {
  func.func @body(%arg0: memref<2x10240x16xf32, #tpu.memory_space<vmem>>, %arg1: memref<10000x128xf32, #tpu.memory_space<vmem>>, %arg2: memref<128x128xf32, #tpu.memory_space<vmem>>, %arg3: memref<128x128xf32, #tpu.memory_space<vmem>>, %arg4: memref<10000x128xf32, #tpu.memory_space<vmem>>) attributes {dimension_semantics = [], scalar_prefetch = 0 : i64, scratch_operands = 0 : i64, tpu.core_type = #tpu.core_type<tc>} {
    %get3A = arith.constant 0 : index
    %get3A_0 = arith.constant 0 : index
    %get3A_1 = arith.constant 0 : index
    %get3A_2 = vector.load %arg0[%get3A, %get3A_0, %get3A_1] : memref<2x10240x16xf32, #tpu.memory_space<vmem>>, vector<1x10000x1xf32>
    %get3A_3 = vector.shape_cast %get3A_2 : vector<1x10000x1xf32> to vector<10000x1xf32>
    %get3A_4 = arith.constant 1 : index
    %get3A_5 = arith.constant 0 : index
    %get3A_6 = arith.constant 0 : index
    %get3A_7 = vector.load %arg0[%get3A_4, %get3A_5, %get3A_6] : memref<2x10240x16xf32, #tpu.memory_space<vmem>>, vector<1x10000x1xf32>
    %get3A_8 = vector.shape_cast %get3A_7 : vector<1x10000x1xf32> to vector<10000x1xf32>
    %add3A = arith.addf %get3A_3, %get3A_8 : vector<10000x1xf32>
    %add3A_9 = arith.constant 1.000000e+00 : f32
    %add3A_10 = vector.broadcast %add3A_9 : f32 to vector<10000x1xf32>
    %add3A_11 = arith.addf %add3A, %add3A_10 : vector<10000x1xf32>
    %rsqrt3A = math.rsqrt %add3A_11 : vector<10000x1xf32>
    %get3A_12 = arith.constant 0 : index
    %get3A_13 = arith.constant 0 : index
    %get3A_14 = vector.load %arg2[%get3A_12, %get3A_13] : memref<128x128xf32, #tpu.memory_space<vmem>>, vector<128x128xf32>
    %mul3A = arith.constant 0.949999988 : f32
    %mul3A_15 = vector.broadcast %mul3A : f32 to vector<128x128xf32>
    %mul3A_16 = arith.mulf %mul3A_15, %get3A_14 : vector<128x128xf32>
    %get3A_17 = arith.constant 0 : index
    %get3A_18 = arith.constant 0 : index
    %get3A_19 = vector.load %arg3[%get3A_17, %get3A_18] : memref<128x128xf32, #tpu.memory_space<vmem>>, vector<128x128xf32>
    %mul3A_20 = arith.constant 5.000000e-02 : f32
    %mul3A_21 = vector.broadcast %mul3A_20 : f32 to vector<128x128xf32>
    %mul3A_22 = arith.mulf %mul3A_21, %get3A_19 : vector<128x128xf32>
    %add3A_23 = arith.addf %mul3A_16, %mul3A_22 : vector<128x128xf32>
    %get3A_24 = arith.constant 0 : index
    %get3A_25 = arith.constant 0 : index
    %get3A_26 = vector.load %arg1[%get3A_24, %get3A_25] : memref<10000x128xf32, #tpu.memory_space<vmem>>, vector<10000x128xf32>
    %dot_general3A = arith.constant dense<0.000000e+00> : vector<10000x128xf32>
    %dot_general3A_27 = tpu.matmul %get3A_26, %add3A_23, %dot_general3A {dimension_numbers = #tpu.dot_dimension_numbers<[1], [0], [0], [1], [0, 0, 1, 1], [], []>, transpose_lhs_hint = false} : vector<10000x128xf32>, vector<128x128xf32>, vector<10000x128xf32> -> vector<10000x128xf32>
    %mul3A_28 = vector.broadcast %rsqrt3A : vector<10000x1xf32> to vector<10000x128xf32>
    %mul3A_29 = arith.mulf %dot_general3A_27, %mul3A_28 : vector<10000x128xf32>
    %swap3A = arith.constant 0 : index
    %swap3A_30 = arith.constant 0 : index
    %swap3A_31 = vector.load %arg4[%swap3A, %swap3A_30] : memref<10000x128xf32, #tpu.memory_space<vmem>>, vector<10000x128xf32>
    tpu.vector_store %arg4[%swap3A, %swap3A_30], %mul3A_29 {strides = array<i32>} : memref<10000x128xf32, #tpu.memory_space<vmem>>, vector<10000x128xf32>,
    return
  }
}

module attributes {stable_mosaic.version = 14 : i64} {
  func.func @body(%arg0: memref<2x10240x128xf32, #tpu.memory_space<vmem>>, %arg1: memref<10000x128xf32, #tpu.memory_space<vmem>>, %arg2: memref<2x10240x16xf32, #tpu.memory_space<vmem>>, %arg3: memref<1x128xf32, #tpu.memory_space<vmem>>, %arg4: memref<1x128xf32, #tpu.memory_space<vmem>>, %arg5: memref<128x128xf32, #tpu.memory_space<vmem>>, %arg6: memref<128x128xf32, #tpu.memory_space<vmem>>, %arg7: memref<10000x128xf32, #tpu.memory_space<vmem>>) attributes {dimension_semantics = [], scalar_prefetch = 0 : i64, scratch_operands = 0 : i64, tpu.core_type = #tpu.core_type<tc>} {
    %get3A = arith.constant 0 : index
    %get3A_0 = arith.constant 0 : index
    %get3A_1 = arith.constant 0 : index
    %get3A_2 = vector.load %arg2[%get3A, %get3A_0, %get3A_1] : memref<2x10240x16xf32, #tpu.memory_space<vmem>>, vector<1x10000x1xf32>
    %get3A_3 = vector.shape_cast %get3A_2 : vector<1x10000x1xf32> to vector<10000x1xf32>
    %get3A_4 = arith.constant 1 : index
    %get3A_5 = arith.constant 0 : index
    %get3A_6 = arith.constant 0 : index
    %get3A_7 = vector.load %arg2[%get3A_4, %get3A_5, %get3A_6] : memref<2x10240x16xf32, #tpu.memory_space<vmem>>, vector<1x10000x1xf32>
    %get3A_8 = vector.shape_cast %get3A_7 : vector<1x10000x1xf32> to vector<10000x1xf32>
    %add3A = arith.addf %get3A_3, %get3A_8 : vector<10000x1xf32>
    %add3A_9 = arith.constant 1.000000e+00 : f32
    %add3A_10 = vector.broadcast %add3A_9 : f32 to vector<10000x1xf32>
    %add3A_11 = arith.addf %add3A, %add3A_10 : vector<10000x1xf32>
    %rsqrt3A = math.rsqrt %add3A_11 : vector<10000x1xf32>
    %get3A_12 = arith.constant 0 : index
    %get3A_13 = arith.constant 0 : index
    %get3A_14 = vector.load %arg3[%get3A_12, %get3A_13] : memref<1x128xf32, #tpu.memory_space<vmem>>, vector<1x128xf32>
    %mul3A = arith.constant 0.949999988 : f32
    %mul3A_15 = vector.broadcast %mul3A : f32 to vector<1x128xf32>
    %mul3A_16 = arith.mulf %mul3A_15, %get3A_14 : vector<1x128xf32>
    %get3A_17 = arith.constant 0 : index
    %get3A_18 = arith.constant 0 : index
    %get3A_19 = vector.load %arg4[%get3A_17, %get3A_18] : memref<1x128xf32, #tpu.memory_space<vmem>>, vector<1x128xf32>
    %mul3A_20 = arith.constant 5.000000e-02 : f32
    %mul3A_21 = vector.broadcast %mul3A_20 : f32 to vector<1x128xf32>
    %mul3A_22 = arith.mulf %mul3A_21, %get3A_19 : vector<1x128xf32>
    %add3A_23 = arith.addf %mul3A_16, %mul3A_22 : vector<1x128xf32>
    %get3A_24 = arith.constant 0 : index
    %get3A_25 = arith.constant 0 : index
    %get3A_26 = arith.constant 0 : index
    %get3A_27 = vector.load %arg0[%get3A_24, %get3A_25, %get3A_26] : memref<2x10240x128xf32, #tpu.memory_space<vmem>>, vector<1x10000x128xf32>
    %get3A_28 = vector.shape_cast %get3A_27 : vector<1x10000x128xf32> to vector<10000x128xf32>
    %get3A_29 = arith.constant 1 : index
    %get3A_30 = arith.constant 0 : index
    %get3A_31 = arith.constant 0 : index
    %get3A_32 = vector.load %arg0[%get3A_29, %get3A_30, %get3A_31] : memref<2x10240x128xf32, #tpu.memory_space<vmem>>, vector<1x10000x128xf32>
    %get3A_33 = vector.shape_cast %get3A_32 : vector<1x10000x128xf32> to vector<10000x128xf32>
    %add3A_34 = arith.addf %get3A_28, %get3A_33 : vector<10000x128xf32>
    %get3A_35 = arith.constant 0 : index
    %get3A_36 = arith.constant 0 : index
    %get3A_37 = vector.load %arg1[%get3A_35, %get3A_36] : memref<10000x128xf32, #tpu.memory_space<vmem>>, vector<10000x128xf32>
    %add3A_38 = arith.addf %add3A_34, %get3A_37 : vector<10000x128xf32>
    %mul3A_39 = vector.broadcast %rsqrt3A : vector<10000x1xf32> to vector<10000x128xf32>
    %mul3A_40 = arith.mulf %add3A_38, %mul3A_39 : vector<10000x128xf32>
    %add3A_41 = vector.broadcast %add3A_23 : vector<1x128xf32> to vector<10000x128xf32>
    %add3A_42 = arith.addf %mul3A_40, %add3A_41 : vector<10000x128xf32>
    %max3A = arith.constant 0.000000e+00 : f32
    %max3A_43 = vector.broadcast %max3A : f32 to vector<10000x128xf32>
    %max3A_44 = arith.maximumf %add3A_42, %max3A_43 : vector<10000x128xf32>
    %get3A_45 = arith.constant 0 : index
    %get3A_46 = arith.constant 0 : index
    %get3A_47 = vector.load %arg5[%get3A_45, %get3A_46] : memref<128x128xf32, #tpu.memory_space<vmem>>, vector<128x128xf32>
    %mul3A_48 = arith.constant 0.949999988 : f32
    %mul3A_49 = vector.broadcast %mul3A_48 : f32 to vector<128x128xf32>
    %mul3A_50 = arith.mulf %mul3A_49, %get3A_47 : vector<128x128xf32>
    %get3A_51 = arith.constant 0 : index
    %get3A_52 = arith.constant 0 : index
    %get3A_53 = vector.load %arg6[%get3A_51, %get3A_52] : memref<128x128xf32, #tpu.memory_space<vmem>>, vector<128x128xf32>
    %mul3A_54 = arith.constant 5.000000e-02 : f32
    %mul3A_55 = vector.broadcast %mul3A_54 : f32 to vector<128x128xf32>
    %mul3A_56 = arith.mulf %mul3A_55, %get3A_53 : vector<128x128xf32>
    %add3A_57 = arith.addf %mul3A_50, %mul3A_56 : vector<128x128xf32>
    %dot_general3A = arith.constant dense<0.000000e+00> : vector<10000x128xf32>
    %dot_general3A_58 = tpu.matmul %max3A_44, %add3A_57, %dot_general3A {dimension_numbers = #tpu.dot_dimension_numbers<[1], [0], [0], [1], [0, 0, 1, 1], [], []>, transpose_lhs_hint = false} : vector<10000x128xf32>, vector<128x128xf32>, vector<10000x128xf32> -> vector<10000x128xf32>
    %mul3A_59 = vector.broadcast %rsqrt3A : vector<10000x1xf32> to vector<10000x128xf32>
    %mul3A_60 = arith.mulf %dot_general3A_58, %mul3A_59 : vector<10000x128xf32>
    %swap3A = arith.constant 0 : index
    %swap3A_61 = arith.constant 0 : index
    %swap3A_62 = vector.load %arg7[%swap3A, %swap3A_61] : memref<10000x128xf32, #tpu.memory_space<vmem>>, vector<10000x128xf32>
    tpu.vector_store %arg7[%swap3A, %swap3A_61], %mul3A_60 {strides = array<i32>} : memref<10000x128xf32, #tpu.memory_space<vmem>>, vector<10000x128xf32>,
    return
  }
}

module attributes {stable_mosaic.version = 14 : i64} {
  func.func @body(%arg0: memref<2x10240x128xf32, #tpu.memory_space<vmem>>, %arg1: memref<10000x128xf32, #tpu.memory_space<vmem>>, %arg2: memref<2x10240x16xf32, #tpu.memory_space<vmem>>, %arg3: memref<1x128xf32, #tpu.memory_space<vmem>>, %arg4: memref<1x128xf32, #tpu.memory_space<vmem>>, %arg5: memref<1x10000xi32, #tpu.memory_space<vmem>>, %arg6: memref<128x128xf32, #tpu.memory_space<vmem>>, %arg7: memref<1x128xf32, #tpu.memory_space<vmem>>, %arg8: memref<128x10xf32, #tpu.memory_space<vmem>>, %arg9: memref<1x10xf32, #tpu.memory_space<vmem>>, %arg10: memref<64x10xf32, #tpu.memory_space<vmem>>) attributes {dimension_semantics = [], scalar_prefetch = 0 : i64, scratch_operands = 0 : i64, tpu.core_type = #tpu.core_type<tc>} {
    %get3A = arith.constant 0 : index
    %get3A_0 = arith.constant 0 : index
    %get3A_1 = arith.constant 0 : index
    %get3A_2 = vector.load %arg2[%get3A, %get3A_0, %get3A_1] : memref<2x10240x16xf32, #tpu.memory_space<vmem>>, vector<1x10000x1xf32>
    %get3A_3 = vector.shape_cast %get3A_2 : vector<1x10000x1xf32> to vector<10000x1xf32>
    %get3A_4 = arith.constant 1 : index
    %get3A_5 = arith.constant 0 : index
    %get3A_6 = arith.constant 0 : index
    %get3A_7 = vector.load %arg2[%get3A_4, %get3A_5, %get3A_6] : memref<2x10240x16xf32, #tpu.memory_space<vmem>>, vector<1x10000x1xf32>
    %get3A_8 = vector.shape_cast %get3A_7 : vector<1x10000x1xf32> to vector<10000x1xf32>
    %add3A = arith.addf %get3A_3, %get3A_8 : vector<10000x1xf32>
    %add3A_9 = arith.constant 1.000000e+00 : f32
    %add3A_10 = vector.broadcast %add3A_9 : f32 to vector<10000x1xf32>
    %add3A_11 = arith.addf %add3A, %add3A_10 : vector<10000x1xf32>
    %rsqrt3A = math.rsqrt %add3A_11 : vector<10000x1xf32>
    %get3A_12 = arith.constant 0 : index
    %get3A_13 = arith.constant 0 : index
    %get3A_14 = vector.load %arg3[%get3A_12, %get3A_13] : memref<1x128xf32, #tpu.memory_space<vmem>>, vector<1x128xf32>
    %mul3A = arith.constant 0.949999988 : f32
    %mul3A_15 = vector.broadcast %mul3A : f32 to vector<1x128xf32>
    %mul3A_16 = arith.mulf %mul3A_15, %get3A_14 : vector<1x128xf32>
    %get3A_17 = arith.constant 0 : index
    %get3A_18 = arith.constant 0 : index
    %get3A_19 = vector.load %arg4[%get3A_17, %get3A_18] : memref<1x128xf32, #tpu.memory_space<vmem>>, vector<1x128xf32>
    %mul3A_20 = arith.constant 5.000000e-02 : f32
    %mul3A_21 = vector.broadcast %mul3A_20 : f32 to vector<1x128xf32>
    %mul3A_22 = arith.mulf %mul3A_21, %get3A_19 : vector<1x128xf32>
    %add3A_23 = arith.addf %mul3A_16, %mul3A_22 : vector<1x128xf32>
    %get3A_24 = arith.constant 0 : index
    %get3A_25 = arith.constant 0 : index
    %get3A_26 = arith.constant 0 : index
    %get3A_27 = vector.load %arg0[%get3A_24, %get3A_25, %get3A_26] : memref<2x10240x128xf32, #tpu.memory_space<vmem>>, vector<1x10000x128xf32>
    %get3A_28 = vector.shape_cast %get3A_27 : vector<1x10000x128xf32> to vector<10000x128xf32>
    %get3A_29 = arith.constant 1 : index
    %get3A_30 = arith.constant 0 : index
    %get3A_31 = arith.constant 0 : index
    %get3A_32 = vector.load %arg0[%get3A_29, %get3A_30, %get3A_31] : memref<2x10240x128xf32, #tpu.memory_space<vmem>>, vector<1x10000x128xf32>
    %get3A_33 = vector.shape_cast %get3A_32 : vector<1x10000x128xf32> to vector<10000x128xf32>
    %add3A_34 = arith.addf %get3A_28, %get3A_33 : vector<10000x128xf32>
    %get3A_35 = arith.constant 0 : index
    %get3A_36 = arith.constant 0 : index
    %get3A_37 = vector.load %arg1[%get3A_35, %get3A_36] : memref<10000x128xf32, #tpu.memory_space<vmem>>, vector<10000x128xf32>
    %add3A_38 = arith.addf %add3A_34, %get3A_37 : vector<10000x128xf32>
    %mul3A_39 = vector.broadcast %rsqrt3A : vector<10000x1xf32> to vector<10000x128xf32>
    %mul3A_40 = arith.mulf %add3A_38, %mul3A_39 : vector<10000x128xf32>
    %add3A_41 = vector.broadcast %add3A_23 : vector<1x128xf32> to vector<10000x128xf32>
    %add3A_42 = arith.addf %mul3A_40, %add3A_41 : vector<10000x128xf32>
    %max3A = arith.constant 0.000000e+00 : f32
    %max3A_43 = vector.broadcast %max3A : f32 to vector<10000x128xf32>
    %max3A_44 = arith.maximumf %add3A_42, %max3A_43 : vector<10000x128xf32>
    %iota3A = tpu.iota {dimensions = array<i32: 0>} : vector<64x10000xi32>
    %get3A_45 = arith.constant 0 : index
    %get3A_46 = arith.constant 0 : index
    %get3A_47 = vector.load %arg5[%get3A_45, %get3A_46] : memref<1x10000xi32, #tpu.memory_space<vmem>>, vector<1x10000xi32>
    %broadcast_in_dim3A = vector.shape_cast %get3A_47 : vector<1x10000xi32> to vector<1x10000xi32>
    %broadcast_in_dim3A_48 = vector.broadcast %broadcast_in_dim3A : vector<1x10000xi32> to vector<64x10000xi32>
    %eq3A = arith.cmpi eq, %iota3A, %broadcast_in_dim3A_48 : vector<64x10000xi32>
    %jit3A = arith.constant 1.000000e+00 : f32
    %jit3A_49 = arith.constant 0.000000e+00 : f32
    %broadcast_in_dim3A_50 = vector.broadcast %jit3A : f32 to vector<64x10000xf32>
    %broadcast_in_dim3A_51 = vector.broadcast %jit3A_49 : f32 to vector<64x10000xf32>
    %select_n3A = arith.select %eq3A, %broadcast_in_dim3A_50, %broadcast_in_dim3A_51 : vector<64x10000xi1>, vector<64x10000xf32>
    %dot_general3A = arith.constant dense<0.000000e+00> : vector<64x128xf32>
    %dot_general3A_52 = tpu.matmul %select_n3A, %max3A_44, %dot_general3A {dimension_numbers = #tpu.dot_dimension_numbers<[1], [0], [0], [1], [0, 0, 1, 1], [], []>, transpose_lhs_hint = false} : vector<64x10000xf32>, vector<10000x128xf32>, vector<64x128xf32> -> vector<64x128xf32>
    %reduce_sum3A = arith.constant dense<0.000000e+00> : vector<64xf32>
    %reduce_sum3A_53 = vector.multi_reduction <add>, %select_n3A, %reduce_sum3A [1] : vector<64x10000xf32> to vector<64xf32>
    %broadcast_in_dim3A_54 = vector.shape_cast %reduce_sum3A_53 : vector<64xf32> to vector<64x1xf32>
    %max3A_55 = arith.constant 1.000000e+00 : f32
    %max3A_56 = vector.broadcast %max3A_55 : f32 to vector<64x1xf32>
    %max3A_57 = arith.maximumf %broadcast_in_dim3A_54, %max3A_56 : vector<64x1xf32>
    %div3A = vector.broadcast %max3A_57 : vector<64x1xf32> to vector<64x128xf32>
    %div3A_58 = arith.divf %dot_general3A_52, %div3A : vector<64x128xf32>
    %get3A_59 = arith.constant 0 : index
    %get3A_60 = arith.constant 0 : index
    %get3A_61 = vector.load %arg6[%get3A_59, %get3A_60] : memref<128x128xf32, #tpu.memory_space<vmem>>, vector<128x128xf32>
    %dot_general3A_62 = arith.constant dense<0.000000e+00> : vector<64x128xf32>
    %dot_general3A_63 = tpu.matmul %div3A_58, %get3A_61, %dot_general3A_62 {dimension_numbers = #tpu.dot_dimension_numbers<[1], [0], [0], [1], [0, 0, 1, 1], [], []>, transpose_lhs_hint = false} : vector<64x128xf32>, vector<128x128xf32>, vector<64x128xf32> -> vector<64x128xf32>
    %get3A_64 = arith.constant 0 : index
    %get3A_65 = arith.constant 0 : index
    %get3A_66 = vector.load %arg7[%get3A_64, %get3A_65] : memref<1x128xf32, #tpu.memory_space<vmem>>, vector<1x128xf32>
    %add3A_67 = vector.broadcast %get3A_66 : vector<1x128xf32> to vector<64x128xf32>
    %add3A_68 = arith.addf %dot_general3A_63, %add3A_67 : vector<64x128xf32>
    %max3A_69 = arith.constant 0.000000e+00 : f32
    %max3A_70 = vector.broadcast %max3A_69 : f32 to vector<64x128xf32>
    %max3A_71 = arith.maximumf %add3A_68, %max3A_70 : vector<64x128xf32>
    %get3A_72 = arith.constant 0 : index
    %get3A_73 = arith.constant 0 : index
    %get3A_74 = vector.load %arg8[%get3A_72, %get3A_73] : memref<128x10xf32, #tpu.memory_space<vmem>>, vector<128x10xf32>
    %dot_general3A_75 = arith.constant dense<0.000000e+00> : vector<64x10xf32>
    %dot_general3A_76 = tpu.matmul %max3A_71, %get3A_74, %dot_general3A_75 {dimension_numbers = #tpu.dot_dimension_numbers<[1], [0], [0], [1], [0, 0, 1, 1], [], []>, transpose_lhs_hint = false} : vector<64x128xf32>, vector<128x10xf32>, vector<64x10xf32> -> vector<64x10xf32>
    %get3A_77 = arith.constant 0 : index
    %get3A_78 = arith.constant 0 : index
    %get3A_79 = vector.load %arg9[%get3A_77, %get3A_78] : memref<1x10xf32, #tpu.memory_space<vmem>>, vector<1x10xf32>
    %add3A_80 = vector.broadcast %get3A_79 : vector<1x10xf32> to vector<64x10xf32>
    %add3A_81 = arith.addf %dot_general3A_76, %add3A_80 : vector<64x10xf32>
    %reduce_max3A = arith.constant dense<0xFF800000> : vector<64xf32>
    %reduce_max3A_82 = vector.multi_reduction <maximumf>, %add3A_81, %reduce_max3A [1] : vector<64x10xf32> to vector<64xf32>
    %broadcast_in_dim3A_83 = vector.shape_cast %reduce_max3A_82 : vector<64xf32> to vector<64x1xf32>
    %sub3A = vector.broadcast %broadcast_in_dim3A_83 : vector<64x1xf32> to vector<64x10xf32>
    %sub3A_84 = arith.subf %add3A_81, %sub3A : vector<64x10xf32>
    %exp3A = math.exp %sub3A_84 : vector<64x10xf32>
    %reduce_sum3A_85 = arith.constant dense<0.000000e+00> : vector<64xf32>
    %reduce_sum3A_86 = vector.multi_reduction <add>, %exp3A, %reduce_sum3A_85 [1] : vector<64x10xf32> to vector<64xf32>
    %broadcast_in_dim3A_87 = vector.shape_cast %reduce_sum3A_86 : vector<64xf32> to vector<64x1xf32>
    %log3A = math.log %broadcast_in_dim3A_87 : vector<64x1xf32>
    %add3A_88 = arith.addf %log3A, %broadcast_in_dim3A_83 : vector<64x1xf32>
    %sub3A_89 = vector.broadcast %add3A_88 : vector<64x1xf32> to vector<64x10xf32>
    %sub3A_90 = arith.subf %add3A_81, %sub3A_89 : vector<64x10xf32>
    %swap3A = arith.constant 0 : index
    %swap3A_91 = arith.constant 0 : index
    %swap3A_92 = vector.load %arg10[%swap3A, %swap3A_91] : memref<64x10xf32, #tpu.memory_space<vmem>>, vector<64x10xf32>
    tpu.vector_store %arg10[%swap3A, %swap3A_91], %sub3A_90 {strides = array<i32>} : memref<64x10xf32, #tpu.memory_space<vmem>>, vector<64x10xf32>,
    return
  }
}

</mosaic_0001>

<sc_bundles>
// kernel: kernel.10.cloned.1.call-start
scs
__scs_entry_jumppad:
0x0: {  	(pc) =	sbr.rel $0x88, $3  }
0x1: {  	(tag) =	ssettag $0x0;
	lr =	simm.s32 $0x1  }
0x2: {  	[smem:$0x3F90] =	sst lr;
	_ =	strace $0xD0000000  }
0x3: {  	_ = 	snop  }
0x4: {  	_ = 	snop  }
0x5: {  	_ = 	snop  }
0x6: {  	_ = 	snop  }
0x7: {  	_ = 	snop  }
__scs_overlays_trampoline_lowered:
0x8: {  	[smem:$0x3F9F] =	sst s0  }
0x9: {  	[smem:$0x3FA0] =	sst s1  }
0xa: {  	[smem:$0x3FA1] =	sst s2  }
0xb: {  	[smem:$0x3FA2] =	sst s3  }
0xc: {  	[smem:$0x3FA3] =	sst s4  }
0xd: {  	[smem:$0x3FA4] =	sst s5  }
0xe: {  	[smem:$0x3FA5] =	sst s6  }
0xf: {  	[smem:$0x3FA6] =	sst s7  }
0x10: {  	[smem:$0x3FA7] =	sst s8  }
0x11: {  	[smem:$0x3FA8] =	sst s9;
	s0 =	simm.s32 @!p0 $0x0  }
0x12: {  	s1 =	sld [smem:$0x3F8E];
	s0 =	simm.s32 @p0 $0x1  }
0x13: {  	[smem:$0x3FA9] =	sst s0;
	s0 =	simm.s32 @!p1 $0x0  }
0x14: {  	s2 =	sld [smem:$0x3F8D];
	s0 =	simm.s32 @p1 $0x1  }
0x15: {  	[smem:$0x3FAA] =	sst s0;
	s0 =	simm.s32 @!p2 $0x0  }
0x16: {  	s3 =	sld [smem:$0x3FDB];
	s0 =	simm.s32 @p2 $0x1  }
0x17: {  	s4 =	simm.s32 $0x1BF5;
	[smem:$0x3FAC] =	sst s0  }
0x18: {  	s0 =	sld [smem:$0x3F8F];
	_ =	swait.ge [sflag:s4], $0x0  }
0x19: {  	s7 =	sld [smem:$0x3F90]  }
0x1a: {  	s8 =	sadd.s32 $0xFFFFE003, lr  }
0x1b: {  	s9 =	sadd.s32 $0xFFFFFEF7, lr;
	s5 =	simm.s32 $0xFFFFFFFF;
	p2 =	slt.u32 s8, $0xFFFFF086  }
0x1c: {  	p1 =	slt.u32 s9, $0xF7A;
	s5 =	simm.s32 @!p2 $0x0  }
0x1d: {  	s5 =	simm.s32 @p1 $0x1;
	p0 =	seq.s32 s7, s2  }
0x1e: {  	s7 =	smul.u32 @!p0 $0xF7A, s2;
	p2 =	seq.s32 @!p0 s5, $0x0  }
0x1f: {  	s9 =	smul.u32 $0xF7A, s1;
	s8 =	simm.s32 @!p0 $0x1BF5;
	p2 =	por !p2, p0  }
0x20: {  	[sflag:s8] =	ssyncset.s32 @!p0 $0xFFFFF086;
	s6 =	sadd.s32 @!p0 s3, s7;
	s7 =	simm.s32 @!p0 $0x108  }
0x21: {  	s3 =	sadd.s32 s3, s9;
	s6 =	sadd.s32 @!p0 $0x88, s6;
	s7 =	simm.s32 @p2 $0x1082  }
0x22: {  	[simem:s7], [sflag:s8] =	dma.local @!p0 [hbm:s6], $0xF7A  }
0x23: {  	s9 =	sor.u32 $0xD0000000, s2;
	s6 =	simm.s32 $0x108;
	_ =	swait.ge @!p0 [sflag:s8], $0x0  }
0x24: {  	s3 =	sadd.s32 $0x88, s3;
	s6 =	simm.s32 @!p1 $0x1082;
	[sflag:s4] =	ssyncset.s32 $0xFFFFF086  }
0x25: {  	[simem:s6], [sflag:s4] =	dma.local [hbm:s3], $0xF7A  }
0x26: {  	[smem:$0x3F90] =	sst s1;
	(tag) =	ssettag s2;
	_ =	strace s9  }
0x27: {  	s1 =	sld [smem:$0x3FA0]  }
0x28: {  	s2 =	sld [smem:$0x3FA1]  }
0x29: {  	s4 =	sld [smem:$0x3FA3]  }
0x2a: {  	p0 =	seq.s32 s5, $0x0;
	s5 =	sld [smem:$0x3FA4]  }
0x2b: {  	s6 =	sld [smem:$0x3FA5]  }
0x2c: {  	s7 =	sld [smem:$0x3FA6]  }
0x2d: {  	s3 =	simm.s32 $0x108;
	s8 =	sld [smem:$0x3FA7]  }
0x2e: {  	s3 =	simm.s32 @!p0 $0x1082;
	s9 =	sld [smem:$0x3FA8]  }
0x2f: {  	lr =	sadd.s32 s0, s3;
	s0 =	sld [smem:$0x3F9F]  }
0x30: {  	s3 =	sld [smem:$0x3FA2]  }
0x31: {  	[smem:$0x3FAB] =	sst s10  }
0x32: {  	s10 =	sld [smem:$0x3FA9];
	_ =	sdelay $0x3  }
0x33: {  	p0 =	seq.s32 s10, $0x1;
	s10 =	sld [smem:$0x3FAB];
	_ =	sdelay $0x3  }
0x34: {  	[smem:$0x3FAB] =	sst s10  }
0x35: {  	s10 =	sld [smem:$0x3FAA];
	_ =	sdelay $0x3  }
0x36: {  	p1 =	seq.s32 s10, $0x1;
	s10 =	sld [smem:$0x3FAB];
	_ =	sdelay $0x3  }
0x37: {  	[smem:$0x3FAB] =	sst s10  }
0x38: {  	s10 =	sld [smem:$0x3FAC]  }
0x39: {  	_ = 	snop;
	(pc) =	sbr.ind lr, $3  }
0x3a: {  	_ = 	snop  }
0x3b: {  	_ = 	snop  }
0x3c: {  	p2 =	seq.s32 s10, $0x1;
	s10 =	sld [smem:$0x3FAB]  }
0x3d: {  	_ =	shalt  }
0x3e: {  	_ =	shalt  }
0x3f: {  	_ =	shalt  }
0x40: {  	_ =	shalt  }
0x41: {  	_ =	shalt  }
0x42: {  	_ =	shalt  }
0x43: {  	_ =	shalt  }
0x44: {  	_ =	shalt  }
0x45: {  	_ =	shalt  }
0x46: {  	_ =	shalt  }
0x47: {  	_ =	shalt  }
0x48: {  	_ =	shalt  }
0x49: {  	_ =	shalt  }
0x4a: {  	_ =	shalt  }
0x4b: {  	_ =	shalt  }
0x4c: {  	_ =	shalt  }
0x4d: {  	_ =	shalt  }
0x4e: {  	_ =	shalt  }
0x4f: {  	_ =	shalt  }
0x50: {  	_ =	shalt  }
0x51: {  	_ =	shalt  }
0x52: {  	_ =	shalt  }
0x53: {  	_ =	shalt  }
0x54: {  	_ =	shalt  }
0x55: {  	_ =	shalt  }
0x56: {  	_ =	shalt  }
0x57: {  	_ =	shalt  }
0x58: {  	_ =	shalt  }
0x59: {  	_ =	shalt  }
0x5a: {  	_ =	shalt  }
0x5b: {  	_ =	shalt  }
0x5c: {  	_ =	shalt  }
0x5d: {  	_ =	shalt  }
0x5e: {  	_ =	shalt  }
0x5f: {  	_ =	shalt  }
0x60: {  	_ =	shalt  }
0x61: {  	_ =	shalt  }
0x62: {  	_ =	shalt  }
0x63: {  	_ =	shalt  }
0x64: {  	_ =	shalt  }
0x65: {  	_ =	shalt  }
0x66: {  	_ =	shalt  }
0x67: {  	_ =	shalt  }
0x68: {  	_ =	shalt  }
0x69: {  	_ =	shalt  }
0x6a: {  	_ =	shalt  }
0x6b: {  	_ =	shalt  }
0x6c: {  	_ =	shalt  }
0x6d: {  	_ =	shalt  }
0x6e: {  	_ =	shalt  }
0x6f: {  	_ =	shalt  }
0x70: {  	_ =	shalt  }
0x71: {  	_ =	shalt  }
0x72: {  	_ =	shalt  }
0x73: {  	_ =	shalt  }
0x74: {  	_ =	shalt  }
0x75: {  	_ =	shalt  }
0x76: {  	_ =	shalt  }
0x77: {  	_ =	shalt  }
0x78: {  	_ =	shalt  }
0x79: {  	_ =	shalt  }
0x7a: {  	_ =	shalt  }
0x7b: {  	_ =	shalt  }
0x7c: {  	_ =	shalt  }
0x7d: {  	_ =	shalt  }
0x7e: {  	_ =	shalt  }
0x7f: {  	_ =	shalt  }
0x80: {  	_ =	shalt  }
0x81: {  	_ =	shalt  }
0x82: {  	_ =	shalt  }
0x83: {  	_ =	shalt  }
0x84: {  	_ =	shalt  }
0x85: {  	_ =	shalt  }
0x86: {  	_ =	shalt  }
0x87: {  	_ =	shalt  }
.Lfunc_end0:
.L_simem_size_0:
called_computation_lowered:
.L_overlay_start_0:
0x88: {  	s2 =	sld [smem:$0x3FD9]  }
0x89: {  	s3 =	sld [smem:$0x3FFE];
	_ =	sdelay $0x1  }
0x8a: {  	s1 =	srdreg.scid  }
0x8b: {  	s0 =	sand.u32 $0x1, s1  }
0x8c: {  	s16 =	sshll.u32 s0, $0xA;
	s2 =	sadd.s32 s3, s2  }
0x8d: {  	s2 =	sadd.s32 s2, s16  }
0x8e: {  	[smem:$0x3FB7] =	sst s2  }
0x8f: {  	_ = 	snop  }
0x90: {  	(tm) =	ssettm $0x1  }
0x91: {  	s17 =	sld [smem:$0x3FFB];
	_ =	sdelay $0x3  }
0x92: {  	_ =	strace s17  }
0x93: {  	s2 =	sld [smem:$0x3FFC];
	_ =	sdelay $0x3  }
0x94: {  	_ =	strace s2  }
0x95: {  	s2 =	sld [smem:$0x3FFD];
	_ =	sdelay $0x3  }
0x96: {  	_ =	strace s2  }
0x97: {  	_ =	strace $0x8FFFFFFF  }
0x98: {  	s18 =	sld [smem:$0x3FDB];
	_ =	sdelay $0x1  }
0x99: {  	s19 =	simm.s32 $_scs_section_size  }
0x9a: {  	s4 =	simm.s32 $_size__tile_overlayer_lowered;
	s5 =	simm.s32 $_tile_overlayer_lowered  }
0x9b: {  	s22 =	simm.s32 $0x1BFF;
	s21 =	sshll.u32 s5, $0x1;
	s2 =	sadd.s32 s19, s18  }
0x9c: {  	s6 =	simm.s32 $0x0;
	s20 =	sshll.u32 s4, $0x1;
	s4 =	sadd.s32 s21, s2  }
0x9d: {  	[timem:s6], [sflag:s22] =	dma.local [hbm:s4], s20  }
0x9e: {  	_ =	swait.ge [sflag:s22], s20  }
0x9f: {  	s3 =	ssub.s32 $0x0, s20;
	[sflag:s22] =	ssyncset.done $0x0  }
0xa0: {  	[sflag:s22] =	ssyncadd.s32 s3;
	_ =	sdelay $0x1  }
0xa1: {  	s23 =	simm.s32 $0x1B8B  }
0xa2: {  	_ =	swait.ge [sflag:s23], $0x1  }
0xa3: {  	[sflag:s23] =	ssyncset.done $0x0  }
0xa4: {  	s25 =	simm.s32 $0x1B8E;
	s24 =	sld [smem:$0x3FFE];
	[sflag:s23] =	ssyncadd.s32 $0xFFFFFFFF  }
0xa5: {  	s26 =	simm.s32 $execute0_lowered;
	[smem:$0x3FD2] =	sst s25  }
0xa6: {  	s4 =	sshll.u32 s26, $0x1;
	_ =	strace $0x80000046;
	[dreg:$0x1] =	wrdreg $0xFFFFFFFF  }
0xa7: {  	s28 =	simm.s32 $_size_execute0_lowered;
	s2 =	sadd.s32 s2, s4;
	[dreg:$0x0] =	wrdreg $0x0  }
0xa8: {  	s4 =	sshll.u32 s28, $0x1;
	[dreg:$0x2] =	wrdreg s2  }
0xa9: {  	[dreg:$0x3] =	wrdreg s4  }
0xaa: {  	[dreg:$0x4] =	wrdreg $0xC0  }
0xab: {  	_ =	task [dreg:s6], $0x5FFFF  }
0xac: {  	[dreg:$0x1] =	wrdreg $0xFFFFFFFF  }
0xad: {  	[dreg:$0x0] =	wrdreg $0x60  }
0xae: {  	[dreg:$0x2] =	wrdreg s24  }
0xaf: {  	[dreg:$0x3] =	wrdreg $0xA8000  }
0xb0: {  	[dreg:$0x4] =	wrdreg $0x9  }
0xb1: {  	_ =	task.clear_ibuf [dreg:s6], $0x5FFFF;
	_ =	strace $0x90000046  }
0xb2: {  	s29 =	simm.s32 $0x9;
	_ =	strace $0x80000048  }
0xb3: {  	_ =	swait.ge [sflag:s29], $0x1  }
0xb4: {  	[sflag:s29] =	ssyncadd.s32 $0xFFFFFFFF  }
0xb5: {  	_ =	strace $0x90000048  }
0xb6: {  	_ =	sfence  }
0xb7: {  	s30 =	sld [smem:$0x0];
	_ =	sdelay $0x2  }
0xb8: {  	s31 =	sshll.u32 s1, $0xD;
	s1 =	sshrl.u32 s1, $0x2  }
0xb9: {  	s3 =	sand.u32 $0x4000, s31;
	s1 =	sadd.s32 s1, s30  }
0xba: {  	s0 =	sor.u32 s3, s0;
	s1 =	sshll.u32 s1, $0x11  }
0xbb: {  	s0 =	sor.u32 s1, s0  }
0xbc: {  	s0 =	sadd.s32 $0x8F2B, s0  }
0xbd: {  	[sflag:s0] =	ssyncadd.remote.s32 $0x1  }
0xbe: {  	_ =	sfence.sel $0xFFFF  }
0xbf: {  	[dreg:$0x0] =	wrdreg $0xFFFFFFFF;
	(pc) =	sbr.abs _section_cstart, $3  }
0xc0: {  	[dreg:$0x1] =	wrdreg $0xFFFFFFFF  }
0xc1: {  	_ =	task.clear_ibuf [dreg:s6], $0x2FFFF;
	_ =	strace $0x9FFFFFFF  }
0xc2: {  	(tm) =	ssettm $0x7FFFFFFF  }
0xc3: {  	_ =	shalt  }
tec
execute0_lowered:
.L_overlay_start_1:
0x0: {  	(tag) =	ssettag $0x1  }
0x1: {  	s1 =	srdreg.scid;
	s7 =	rddreg [dreg:$0x0]  }
0x2: {  	s0 =	stileid.u32;
	s2 =	rddreg [dreg:$0x1];
	s3 =	simm.s32 $0x0  }
0x3: {  	s14 =	simm.s32 $0x1;
	s15 =	simm.s32 $0x2800;
	s16 =	simm.s32 $0x6800  }
0x4: {  	s17 =	simm.s32 $0x80;
	s20 =	simm.s32 $0x0;
	s5 =	sand.u32 $0x1, s1  }
0x5: {  	s29 =	sshll.u32 s0, $0x1;
	[smem:$0x7FF] =	sst s3;
	s8 =	smul.u32 $0x14000, s0  }
0x6: {  	s30 =	smul.u32 $0x50000, s0;
	s18 =	sshll.u32 s0, $0x6;
	s1 =	sor.u32 s5, s29  }
0x7: {  	s6 =	smul.u32 $0x140000, s5;
	s5 =	ssub.s32 $0x2, s5;
	s18 =	sor.u32 $0x1C01, s18  }
0x8: {  	s4 =	smul.u32 $0x500, s1;
	s1 =	rddreg [dreg:$0x2];
	_ =	strace $0x80000047  }
0x9: {  	s31 =	sshrl.u32 s5, $0x1;
	s6 =	sadd.s32 s8, s6;
	s8 =	sshrl.u32 s30, $0x2  }
0xa: {  	s13 =	ssub.s32 s5, s31;
	s9 =	sadd.s32 s4, s7;
	s6 =	sshrl.u32 s6, $0x3  }
0xb: {  	s4 =	sadd.s32 $0xEA00, s7;
	s13 =	smax.u32 s13, $0x1;
	s12 =	sadd.s32 s6, s7  }
0xc: {  	s5 =	sadd.s32 $0x4A00, s9;
	s6 =	sadd.s32 s8, s2;
	s7 =	sadd.s32 $0xF200, s7  }
0xd: {  	s8 =	sadd.s32 $0x4000, s6;
	s9 =	sadd.s32 $0x8000, s6;
	s10 =	sadd.s32 $0xC000, s6  }
0xe: {  	s11 =	sadd.s32 $0x10000, s6;
	s12 =	sadd.s32 $0xFA00, s12;
	s19 =	sshrl.u32 s6, $0x3  }
.LBB2_1:
0xf: {  	[tilespmem:s3], [sflag:$0x1] =	stream.linear.gather [hbm4b:s5+s3], $0x2800, $0x38;
	[tilespmem:$0xD000] =	vst v63  }
0x10: {  	_ =	swait.ge [sflag:s14], $0x2800  }
0x11: {  	[sflag:s14] =	ssyncset.done $0x0  }
0x12: {  	[sflag:s14] =	ssyncadd.s32 $0xFFFFD800  }
0x13: {  	[tilespmem:s15], [sflag:$0x1] =	stream.linear.gather [hbm4b:s4+s3], $0x4000, $0x38;
	[tilespmem:$0xD000] =	vst v63  }
0x14: {  	_ =	swait.ge [sflag:s14], $0x4000  }
0x15: {  	[sflag:s14] =	ssyncset.done $0x0  }
0x16: {  	[sflag:s14] =	ssyncadd.s32 $0xFFFFC000  }
0x17: {  	[tilespmem:s16], [sflag:$0x1] =	stream.linear.gather [hbm4b:s7+s3], $0x4000, $0x38;
	[tilespmem:$0xD000] =	vst v63  }
0x18: {  	_ =	swait.ge [sflag:s14], $0x4000  }
0x19: {  	[sflag:s14] =	ssyncset.done $0x0  }
0x1a: {  	[sflag:s14] =	ssyncadd.s32 $0xFFFFC000  }
0x1b: {  	[spmem:s6] =	stream.linear.scatter [tilespmem:s15], [sflag:$0x1], $0x4000, $0x38;
	[tilespmem:$0xD000] =	vst v63  }
0x1c: {  	_ =	swait.ge [sflag:s14], $0x4000  }
0x1d: {  	[sflag:s14] =	ssyncset.done $0x0  }
0x1e: {  	[sflag:s14] =	ssyncadd.s32 $0xFFFFC000  }
0x1f: {  	[spmem:s8] =	stream.linear.scatter [tilespmem:s15], [sflag:$0x1], $0x4000, $0x38;
	[tilespmem:$0xD000] =	vst v63  }
0x20: {  	_ =	swait.ge [sflag:s14], $0x4000  }
0x21: {  	[sflag:s14] =	ssyncset.done $0x0  }
0x22: {  	[sflag:s14] =	ssyncadd.s32 $0xFFFFC000  }
0x23: {  	[spmem:s9] =	stream.linear.scatter [tilespmem:s15], [sflag:$0x1], $0x4000, $0x38;
	[tilespmem:$0xD000] =	vst v63  }
0x24: {  	_ =	swait.ge [sflag:s14], $0x4000  }
0x25: {  	[sflag:s14] =	ssyncset.done $0x0  }
0x26: {  	[sflag:s14] =	ssyncadd.s32 $0xFFFFC000  }
0x27: {  	[spmem:s10] =	stream.linear.scatter [tilespmem:s15], [sflag:$0x1], $0x4000, $0x38;
	[tilespmem:$0xD000] =	vst v63  }
0x28: {  	_ =	swait.ge [sflag:s14], $0x4000  }
0x29: {  	[sflag:s14] =	ssyncset.done $0x0  }
0x2a: {  	[sflag:s14] =	ssyncadd.s32 $0xFFFFC000  }
0x2b: {  	[spmem:s11] =	stream.linear.scatter [tilespmem:s15], [sflag:$0x1], $0x4000, $0x38;
	[tilespmem:$0xD000] =	vst v63  }
0x2c: {  	_ =	swait.ge [sflag:s14], $0x4000  }
0x2d: {  	[sflag:s14] =	ssyncset.done $0x0  }
0x2e: {  	[sflag:s14] =	ssyncadd.s32 $0xFFFFC000  }
0x2f: {  	s21 =	simm.s32 $0x0;
	[bflag:$0x0] =	sbarrier.arrive $0xFFFF  }
0x30: {  	[spmem:s2] =	stream.indirect.scatter.add.f32 [tilespmem:s16], [sflag:$0x1], $0x10, s21, s17, $0xb8;
	[tilespmem:$0xD000] =	vst v63  }
0x31: {  	_ =	swait.ge [sflag:s14], $0x800  }
0x32: {  	s21 =	simm.s32 $0x200;
	[sflag:s14] =	ssyncset.done $0x0  }
.LBB2_2:
0x33: {  	s22 =	sshra.s32 s21, $0x2;
	[sflag:s14] =	ssyncadd.s32 $0xFFFFF800;
	p0 =	sne.s32 s21, $0x9E00  }
0x34: {  	[spmem:s2] =	stream.indirect.scatter.add.f32 [tilespmem:s16], [sflag:$0x1], $0x10, s22, s17, $0xb8;
	[tilespmem:$0xD000] =	vst v63  }
.Ltmp0:
0x35: {  	_ = 	snop;
	(pc) =	sbr.rel @p0 .LBB2_2-.Ltmp0, $4  }
0x36: {  	_ = 	snop  }
0x37: {  	s21 =	sadd.s32 $0x200, s21  }
0x38: {  	_ =	swait.ge [sflag:s14], $0x800  }
0x39: {  	[sflag:s14] =	ssyncset.done $0x0  }
0x3a: {  	s20 =	sadd.s32 $0x1, s20  }
0x3b: {  	[sflag:s14] =	ssyncadd.s32 $0xFFFFF800;
	p0 =	sne.s32 s20, s13  }
.Ltmp1:
0x3c: {  	[bflag:$0x0] =	sbarrier.arrive $0xFFFF;
	(pc) =	sbr.rel @p0 .LBB2_1-.Ltmp1, $4  }
0x3d: {  	[hbm:s12], [sflag:s18] =	dma.local [spmem:s19], $0x2800  }
0x3e: {  	_ =	swait.ge [sflag:s14], $0x2800  }
0x3f: {  	[sflag:s14] =	ssyncset.done $0x0  }
0x40: {  	[sflag:s14] =	ssyncadd.s32 $0xFFFFD800  }
0x41: {  	_ =	sfence.sel $0x180000  }
0x42: {  	[bflag:$0x0] =	sbarrier.arrive $0xFFFF  }
0x43: {  	p0 =	sne.s32 s0, $0x0;
	_ =	strace $0x90000047  }
0x44: {  	s0 =	sadd.s32 @!p0 $0x100000, s1;
	[bflag:$0x2] =	sbarrier.arrive $0xFFFF  }
0x45: {  	[sflag:s0] =	ssyncadd.tile.s32 @!p0 $0x1;
	_ =	shalt  }
.Lfunc_end2:
_tile_overlayer_lowered:
.L_overlay_start_2:
0x46: {  	(tag) =	ssettag $0x2  }
0x47: {  	s0 =	rddreg [dreg:$0x0];
	s2 =	stileid.u32  }
0x48: {  	s1 =	rddreg [dreg:$0x1];
	p0 =	sne.s32 s2, $0x0  }
0x49: {  	s3 =	rddreg [dreg:$0x2];
	[bflag:$0x3] =	sbarrier.arrive $0xFFFF;
	s2 =	simm.s32 @!p0 $0x1C01  }
0x4a: {  	[timem:s3], [sflag:s2] =	dma.local @!p0 [hbm:s0], s1  }
0x4b: {  	s0 =	simm.s32 @!p0 $0x1  }
0x4c: {  	_ =	swait.ge @!p0 [sflag:s0], s1  }
0x4d: {  	s1 =	ssub.s32 @!p0 $0x0, s1;
	[sflag:s0] =	ssyncset.done @!p0 $0x0  }
0x4e: {  	[sflag:s0] =	ssyncadd.s32 @!p0 s1  }
0x4f: {  	[bflag:$0x3] =	sbarrier.arrive $0xFFFF  }
0x50: {  	_ =	shalt  }

// kernel: kernel.13.cloned.1.call-start
scs
__scs_entry_jumppad:
0x0: {  	(pc) =	sbr.rel $0x88, $3  }
0x1: {  	(tag) =	ssettag $0x0;
	lr =	simm.s32 $0x1  }
0x2: {  	[smem:$0x3F90] =	sst lr;
	_ =	strace $0xD0000000  }
0x3: {  	_ = 	snop  }
0x4: {  	_ = 	snop  }
0x5: {  	_ = 	snop  }
0x6: {  	_ = 	snop  }
0x7: {  	_ = 	snop  }
__scs_overlays_trampoline_lowered:
0x8: {  	[smem:$0x3F9F] =	sst s0  }
0x9: {  	[smem:$0x3FA0] =	sst s1  }
0xa: {  	[smem:$0x3FA1] =	sst s2  }
0xb: {  	[smem:$0x3FA2] =	sst s3  }
0xc: {  	[smem:$0x3FA3] =	sst s4  }
0xd: {  	[smem:$0x3FA4] =	sst s5  }
0xe: {  	[smem:$0x3FA5] =	sst s6  }
0xf: {  	[smem:$0x3FA6] =	sst s7  }
0x10: {  	[smem:$0x3FA7] =	sst s8  }
0x11: {  	[smem:$0x3FA8] =	sst s9;
	s0 =	simm.s32 @!p0 $0x0  }
0x12: {  	s1 =	sld [smem:$0x3F8E];
	s0 =	simm.s32 @p0 $0x1  }
0x13: {  	[smem:$0x3FA9] =	sst s0;
	s0 =	simm.s32 @!p1 $0x0  }
0x14: {  	s2 =	sld [smem:$0x3F8D];
	s0 =	simm.s32 @p1 $0x1  }
0x15: {  	[smem:$0x3FAA] =	sst s0;
	s0 =	simm.s32 @!p2 $0x0  }
0x16: {  	s3 =	sld [smem:$0x3FDB];
	s0 =	simm.s32 @p2 $0x1  }
0x17: {  	s4 =	simm.s32 $0x1BF5;
	[smem:$0x3FAC] =	sst s0  }
0x18: {  	s0 =	sld [smem:$0x3F8F];
	_ =	swait.ge [sflag:s4], $0x0  }
0x19: {  	s7 =	sld [smem:$0x3F90]  }
0x1a: {  	s8 =	sadd.s32 $0xFFFFE003, lr  }
0x1b: {  	s9 =	sadd.s32 $0xFFFFFEF7, lr;
	s5 =	simm.s32 $0xFFFFFFFF;
	p2 =	slt.u32 s8, $0xFFFFF086  }
0x1c: {  	p1 =	slt.u32 s9, $0xF7A;
	s5 =	simm.s32 @!p2 $0x0  }
0x1d: {  	s5 =	simm.s32 @p1 $0x1;
	p0 =	seq.s32 s7, s2  }
0x1e: {  	s7 =	smul.u32 @!p0 $0xF7A, s2;
	p2 =	seq.s32 @!p0 s5, $0x0  }
0x1f: {  	s9 =	smul.u32 $0xF7A, s1;
	s8 =	simm.s32 @!p0 $0x1BF5;
	p2 =	por !p2, p0  }
0x20: {  	[sflag:s8] =	ssyncset.s32 @!p0 $0xFFFFF086;
	s6 =	sadd.s32 @!p0 s3, s7;
	s7 =	simm.s32 @!p0 $0x108  }
0x21: {  	s3 =	sadd.s32 s3, s9;
	s6 =	sadd.s32 @!p0 $0x88, s6;
	s7 =	simm.s32 @p2 $0x1082  }
0x22: {  	[simem:s7], [sflag:s8] =	dma.local @!p0 [hbm:s6], $0xF7A  }
0x23: {  	s9 =	sor.u32 $0xD0000000, s2;
	s6 =	simm.s32 $0x108;
	_ =	swait.ge @!p0 [sflag:s8], $0x0  }
0x24: {  	s3 =	sadd.s32 $0x88, s3;
	s6 =	simm.s32 @!p1 $0x1082;
	[sflag:s4] =	ssyncset.s32 $0xFFFFF086  }
0x25: {  	[simem:s6], [sflag:s4] =	dma.local [hbm:s3], $0xF7A  }
0x26: {  	[smem:$0x3F90] =	sst s1;
	(tag) =	ssettag s2;
	_ =	strace s9  }
0x27: {  	s1 =	sld [smem:$0x3FA0]  }
0x28: {  	s2 =	sld [smem:$0x3FA1]  }
0x29: {  	s4 =	sld [smem:$0x3FA3]  }
0x2a: {  	p0 =	seq.s32 s5, $0x0;
	s5 =	sld [smem:$0x3FA4]  }
0x2b: {  	s6 =	sld [smem:$0x3FA5]  }
0x2c: {  	s7 =	sld [smem:$0x3FA6]  }
0x2d: {  	s3 =	simm.s32 $0x108;
	s8 =	sld [smem:$0x3FA7]  }
0x2e: {  	s3 =	simm.s32 @!p0 $0x1082;
	s9 =	sld [smem:$0x3FA8]  }
0x2f: {  	lr =	sadd.s32 s0, s3;
	s0 =	sld [smem:$0x3F9F]  }
0x30: {  	s3 =	sld [smem:$0x3FA2]  }
0x31: {  	[smem:$0x3FAB] =	sst s10  }
0x32: {  	s10 =	sld [smem:$0x3FA9];
	_ =	sdelay $0x3  }
0x33: {  	p0 =	seq.s32 s10, $0x1;
	s10 =	sld [smem:$0x3FAB];
	_ =	sdelay $0x3  }
0x34: {  	[smem:$0x3FAB] =	sst s10  }
0x35: {  	s10 =	sld [smem:$0x3FAA];
	_ =	sdelay $0x3  }
0x36: {  	p1 =	seq.s32 s10, $0x1;
	s10 =	sld [smem:$0x3FAB];
	_ =	sdelay $0x3  }
0x37: {  	[smem:$0x3FAB] =	sst s10  }
0x38: {  	s10 =	sld [smem:$0x3FAC]  }
0x39: {  	_ = 	snop;
	(pc) =	sbr.ind lr, $3  }
0x3a: {  	_ = 	snop  }
0x3b: {  	_ = 	snop  }
0x3c: {  	p2 =	seq.s32 s10, $0x1;
	s10 =	sld [smem:$0x3FAB]  }
0x3d: {  	_ =	shalt  }
0x3e: {  	_ =	shalt  }
0x3f: {  	_ =	shalt  }
0x40: {  	_ =	shalt  }
0x41: {  	_ =	shalt  }
0x42: {  	_ =	shalt  }
0x43: {  	_ =	shalt  }
0x44: {  	_ =	shalt  }
0x45: {  	_ =	shalt  }
0x46: {  	_ =	shalt  }
0x47: {  	_ =	shalt  }
0x48: {  	_ =	shalt  }
0x49: {  	_ =	shalt  }
0x4a: {  	_ =	shalt  }
0x4b: {  	_ =	shalt  }
0x4c: {  	_ =	shalt  }
0x4d: {  	_ =	shalt  }
0x4e: {  	_ =	shalt  }
0x4f: {  	_ =	shalt  }
0x50: {  	_ =	shalt  }
0x51: {  	_ =	shalt  }
0x52: {  	_ =	shalt  }
0x53: {  	_ =	shalt  }
0x54: {  	_ =	shalt  }
0x55: {  	_ =	shalt  }
0x56: {  	_ =	shalt  }
0x57: {  	_ =	shalt  }
0x58: {  	_ =	shalt  }
0x59: {  	_ =	shalt  }
0x5a: {  	_ =	shalt  }
0x5b: {  	_ =	shalt  }
0x5c: {  	_ =	shalt  }
0x5d: {  	_ =	shalt  }
0x5e: {  	_ =	shalt  }
0x5f: {  	_ =	shalt  }
0x60: {  	_ =	shalt  }
0x61: {  	_ =	shalt  }
0x62: {  	_ =	shalt  }
0x63: {  	_ =	shalt  }
0x64: {  	_ =	shalt  }
0x65: {  	_ =	shalt  }
0x66: {  	_ =	shalt  }
0x67: {  	_ =	shalt  }
0x68: {  	_ =	shalt  }
0x69: {  	_ =	shalt  }
0x6a: {  	_ =	shalt  }
0x6b: {  	_ =	shalt  }
0x6c: {  	_ =	shalt  }
0x6d: {  	_ =	shalt  }
0x6e: {  	_ =	shalt  }
0x6f: {  	_ =	shalt  }
0x70: {  	_ =	shalt  }
0x71: {  	_ =	shalt  }
0x72: {  	_ =	shalt  }
0x73: {  	_ =	shalt  }
0x74: {  	_ =	shalt  }
0x75: {  	_ =	shalt  }
0x76: {  	_ =	shalt  }
0x77: {  	_ =	shalt  }
0x78: {  	_ =	shalt  }
0x79: {  	_ =	shalt  }
0x7a: {  	_ =	shalt  }
0x7b: {  	_ =	shalt  }
0x7c: {  	_ =	shalt  }
0x7d: {  	_ =	shalt  }
0x7e: {  	_ =	shalt  }
0x7f: {  	_ =	shalt  }
0x80: {  	_ =	shalt  }
0x81: {  	_ =	shalt  }
0x82: {  	_ =	shalt  }
0x83: {  	_ =	shalt  }
0x84: {  	_ =	shalt  }
0x85: {  	_ =	shalt  }
0x86: {  	_ =	shalt  }
0x87: {  	_ =	shalt  }
.Lfunc_end0:
.L_simem_size_0:
called_computation.1_lowered:
.L_overlay_start_0:
0x88: {  	s2 =	sld [smem:$0x3FD9]  }
0x89: {  	s3 =	sld [smem:$0x3FFE];
	_ =	sdelay $0x1  }
0x8a: {  	s1 =	srdreg.scid  }
0x8b: {  	s0 =	sand.u32 $0x1, s1  }
0x8c: {  	s16 =	sshll.u32 s0, $0xA;
	s2 =	sadd.s32 s3, s2  }
0x8d: {  	s2 =	sadd.s32 s2, s16  }
0x8e: {  	[smem:$0x3FB7] =	sst s2  }
0x8f: {  	_ = 	snop  }
0x90: {  	(tm) =	ssettm $0x1  }
0x91: {  	s17 =	sld [smem:$0x3FFB];
	_ =	sdelay $0x3  }
0x92: {  	_ =	strace s17  }
0x93: {  	s2 =	sld [smem:$0x3FFC];
	_ =	sdelay $0x3  }
0x94: {  	_ =	strace s2  }
0x95: {  	s2 =	sld [smem:$0x3FFD];
	_ =	sdelay $0x3  }
0x96: {  	_ =	strace s2  }
0x97: {  	_ =	strace $0x8FFFFFFF  }
0x98: {  	s18 =	sld [smem:$0x3FDB];
	_ =	sdelay $0x1  }
0x99: {  	s19 =	simm.s32 $_scs_section_size  }
0x9a: {  	s4 =	simm.s32 $_size__tile_overlayer_lowered;
	s5 =	simm.s32 $_tile_overlayer_lowered  }
0x9b: {  	s22 =	simm.s32 $0x1BFF;
	s21 =	sshll.u32 s5, $0x1;
	s2 =	sadd.s32 s19, s18  }
0x9c: {  	s6 =	simm.s32 $0x0;
	s20 =	sshll.u32 s4, $0x1;
	s4 =	sadd.s32 s21, s2  }
0x9d: {  	[timem:s6], [sflag:s22] =	dma.local [hbm:s4], s20  }
0x9e: {  	_ =	swait.ge [sflag:s22], s20  }
0x9f: {  	s3 =	ssub.s32 $0x0, s20;
	[sflag:s22] =	ssyncset.done $0x0  }
0xa0: {  	[sflag:s22] =	ssyncadd.s32 s3;
	_ =	sdelay $0x1  }
0xa1: {  	s23 =	simm.s32 $0x1B8B  }
0xa2: {  	_ =	swait.ge [sflag:s23], $0x1  }
0xa3: {  	[sflag:s23] =	ssyncset.done $0x0  }
0xa4: {  	s25 =	simm.s32 $0x1B8E;
	s24 =	sld [smem:$0x3FFE];
	[sflag:s23] =	ssyncadd.s32 $0xFFFFFFFF  }
0xa5: {  	s26 =	simm.s32 $execute0_lowered;
	[smem:$0x3FD2] =	sst s25  }
0xa6: {  	s4 =	sshll.u32 s26, $0x1;
	_ =	strace $0x80000049;
	[dreg:$0x1] =	wrdreg $0xFFFFFFFF  }
0xa7: {  	s28 =	simm.s32 $_size_execute0_lowered;
	s2 =	sadd.s32 s2, s4;
	[dreg:$0x0] =	wrdreg $0x0  }
0xa8: {  	s4 =	sshll.u32 s28, $0x1;
	[dreg:$0x2] =	wrdreg s2  }
0xa9: {  	[dreg:$0x3] =	wrdreg s4  }
0xaa: {  	[dreg:$0x4] =	wrdreg $0xC0  }
0xab: {  	_ =	task [dreg:s6], $0x5FFFF  }
0xac: {  	[dreg:$0x1] =	wrdreg $0xFFFFFFFF  }
0xad: {  	[dreg:$0x0] =	wrdreg $0x60  }
0xae: {  	[dreg:$0x2] =	wrdreg s24  }
0xaf: {  	[dreg:$0x3] =	wrdreg $0x90000  }
0xb0: {  	[dreg:$0x4] =	wrdreg $0x9  }
0xb1: {  	_ =	task.clear_ibuf [dreg:s6], $0x5FFFF;
	_ =	strace $0x90000049  }
0xb2: {  	s29 =	simm.s32 $0x9;
	_ =	strace $0x8000004B  }
0xb3: {  	_ =	swait.ge [sflag:s29], $0x1  }
0xb4: {  	[sflag:s29] =	ssyncadd.s32 $0xFFFFFFFF  }
0xb5: {  	_ =	strace $0x9000004B  }
0xb6: {  	_ =	sfence  }
0xb7: {  	s30 =	sld [smem:$0x0];
	_ =	sdelay $0x2  }
0xb8: {  	s31 =	sshll.u32 s1, $0xD;
	s1 =	sshrl.u32 s1, $0x2  }
0xb9: {  	s3 =	sand.u32 $0x4000, s31;
	s1 =	sadd.s32 s1, s30  }
0xba: {  	s0 =	sor.u32 s3, s0;
	s1 =	sshll.u32 s1, $0x11  }
0xbb: {  	s0 =	sor.u32 s1, s0  }
0xbc: {  	s0 =	sadd.s32 $0x8F2B, s0  }
0xbd: {  	[sflag:s0] =	ssyncadd.remote.s32 $0x1  }
0xbe: {  	_ =	sfence.sel $0xFFFF  }
0xbf: {  	[dreg:$0x0] =	wrdreg $0xFFFFFFFF;
	(pc) =	sbr.abs _section_cstart, $3  }
0xc0: {  	[dreg:$0x1] =	wrdreg $0xFFFFFFFF  }
0xc1: {  	_ =	task.clear_ibuf [dreg:s6], $0x2FFFF;
	_ =	strace $0x9FFFFFFF  }
0xc2: {  	(tm) =	ssettm $0x7FFFFFFF  }
0xc3: {  	_ =	shalt  }
tec
execute0_lowered:
.L_overlay_start_1:
0x0: {  	(tag) =	ssettag $0x1  }
0x1: {  	s1 =	srdreg.scid;
	s6 =	rddreg [dreg:$0x0]  }
0x2: {  	s0 =	stileid.u32;
	s2 =	rddreg [dreg:$0x1]  }
0x3: {  	s3 =	simm.s32 $0x0;
	s15 =	simm.s32 $0x2;
	s16 =	simm.s32 $0x2800  }
0x4: {  	s17 =	simm.s32 $0x5000;
	s18 =	simm.s32 $0x80;
	s19 =	simm.s32 $0x1  }
0x5: {  	s22 =	simm.s32 $0x0;
	s5 =	sand.u32 $0x1, s1;
	s29 =	sshll.u32 s0, $0x1  }
0x6: {  	[smem:$0x7FF] =	sst s3;
	s9 =	smul.u32 $0x14000, s0;
	s4 =	sadd.s32 $0x69A00, s6  }
0x7: {  	s10 =	smul.u32 $0x50000, s0;
	s20 =	sshll.u32 s0, $0x6;
	s1 =	sor.u32 s5, s29  }
0x8: {  	s8 =	smul.u32 $0x140000, s5;
	s30 =	ssub.s32 $0x2, s5;
	s5 =	sadd.s32 $0xEA00, s6  }
0x9: {  	s20 =	sor.u32 $0x1C02, s20;
	s7 =	smul.u32 $0x500, s1;
	s1 =	rddreg [dreg:$0x2]  }
0xa: {  	_ =	strace $0x8000004A;
	s11 =	sshrl.u32 s30, $0x1;
	s8 =	sadd.s32 s9, s8  }
0xb: {  	s31 =	sshrl.u32 s10, $0x2;
	s14 =	ssub.s32 s30, s11;
	s8 =	sshrl.u32 s8, $0x3  }
0xc: {  	s7 =	sadd.s32 s7, s6;
	s14 =	smax.u32 s14, $0x1;
	s13 =	sadd.s32 s8, s6  }
0xd: {  	s6 =	sadd.s32 $0x5FA00, s7;
	s7 =	sadd.s32 $0x4A00, s7;
	s8 =	sadd.s32 s31, s2  }
0xe: {  	s9 =	sadd.s32 $0x4000, s8;
	s10 =	sadd.s32 $0x8000, s8;
	s11 =	sadd.s32 $0xC000, s8  }
0xf: {  	s12 =	sadd.s32 $0x10000, s8;
	s13 =	sadd.s32 $0x90C00, s13;
	s21 =	sshrl.u32 s8, $0x3  }
.LBB2_1:
0x10: {  	[tilespmem:s3], [sflag:$0x2] =	stream.linear.gather [hbm4b:s6+s3], $0x2800, $0x38;
	[tilespmem:$0x1D000] =	vst v63  }
0x11: {  	_ =	swait.ge [sflag:s15], $0x2800  }
0x12: {  	[sflag:s15] =	ssyncset.done $0x0  }
0x13: {  	[sflag:s15] =	ssyncadd.s32 $0xFFFFD800  }
0x14: {  	[tilespmem:s16], [sflag:$0x2] =	stream.linear.gather [hbm4b:s7+s3], $0x2800, $0x38;
	[tilespmem:$0x1D000] =	vst v63  }
0x15: {  	_ =	swait.ge [sflag:s15], $0x2800  }
0x16: {  	[sflag:s15] =	ssyncset.done $0x0  }
0x17: {  	[sflag:s15] =	ssyncadd.s32 $0xFFFFD800  }
0x18: {  	[tilespmem:s17], [sflag:$0x2] =	stream.linear.gather [hbm4b:s5+s3], $0x4000, $0x38;
	[tilespmem:$0x1D000] =	vst v63  }
0x19: {  	_ =	swait.ge [sflag:s15], $0x4000  }
0x1a: {  	[sflag:s15] =	ssyncset.done $0x0  }
0x1b: {  	[sflag:s15] =	ssyncadd.s32 $0xFFFFC000  }
0x1c: {  	[spmem:s8] =	stream.linear.scatter [tilespmem:s17], [sflag:$0x2], $0x4000, $0x38;
	[tilespmem:$0x1D000] =	vst v63  }
0x1d: {  	_ =	swait.ge [sflag:s15], $0x4000  }
0x1e: {  	[sflag:s15] =	ssyncset.done $0x0  }
0x1f: {  	[sflag:s15] =	ssyncadd.s32 $0xFFFFC000  }
0x20: {  	[spmem:s9] =	stream.linear.scatter [tilespmem:s17], [sflag:$0x2], $0x4000, $0x38;
	[tilespmem:$0x1D000] =	vst v63  }
0x21: {  	_ =	swait.ge [sflag:s15], $0x4000  }
0x22: {  	[sflag:s15] =	ssyncset.done $0x0  }
0x23: {  	[sflag:s15] =	ssyncadd.s32 $0xFFFFC000  }
0x24: {  	[spmem:s10] =	stream.linear.scatter [tilespmem:s17], [sflag:$0x2], $0x4000, $0x38;
	[tilespmem:$0x1D000] =	vst v63  }
0x25: {  	_ =	swait.ge [sflag:s15], $0x4000  }
0x26: {  	[sflag:s15] =	ssyncset.done $0x0  }
0x27: {  	[sflag:s15] =	ssyncadd.s32 $0xFFFFC000  }
0x28: {  	[spmem:s11] =	stream.linear.scatter [tilespmem:s17], [sflag:$0x2], $0x4000, $0x38;
	[tilespmem:$0x1D000] =	vst v63  }
0x29: {  	_ =	swait.ge [sflag:s15], $0x4000  }
0x2a: {  	[sflag:s15] =	ssyncset.done $0x0  }
0x2b: {  	[sflag:s15] =	ssyncadd.s32 $0xFFFFC000  }
0x2c: {  	[spmem:s12] =	stream.linear.scatter [tilespmem:s17], [sflag:$0x2], $0x4000, $0x38;
	[tilespmem:$0x1D000] =	vst v63  }
0x2d: {  	_ =	swait.ge [sflag:s15], $0x4000  }
0x2e: {  	[sflag:s15] =	ssyncset.done $0x0  }
0x2f: {  	[sflag:s15] =	ssyncadd.s32 $0xFFFFC000  }
0x30: {  	s23 =	simm.s32 $0x0;
	[bflag:$0x0] =	sbarrier.arrive $0xFFFF  }
0x31: {  	[tilespmem:s17], [sflag:$0x1] =	stream.indirect.gather [hbm4b:s4+s18], $0x80, s23, s18, $0xb8;
	[tilespmem:$0x1D000] =	vst v63  }
0x32: {  	_ =	swait.ge [sflag:s19], $0x4000  }
0x33: {  	[sflag:s19] =	ssyncset.done $0x0  }
0x34: {  	s31 =	simm.s32 $0x2800;
	[sflag:s19] =	ssyncadd.s32 $0xFFFFC000  }
0x35: {  	[spmem:s2] =	stream.indirect.scatter.add.f32 [tilespmem:s17], [sflag:$0x2], $0x80, s31, s18, $0xb8;
	[tilespmem:$0x1D000] =	vst v63  }
0x36: {  	_ =	swait.ge [sflag:s15], $0x4000  }
0x37: {  	s24 =	simm.s32 $0x400;
	s23 =	simm.s32 $0x200;
	[sflag:s15] =	ssyncset.done $0x0  }
.LBB2_2:
0x38: {  	s25 =	sshra.s32 s23, $0x2  }
0x39: {  	[sflag:s15] =	ssyncadd.s32 $0xFFFFC000;
	s23 =	smov.u32 s24;
	s26 =	sadd.s32 $0x200, s24  }
0x3a: {  	[tilespmem:s17], [sflag:$0x1] =	stream.indirect.gather [hbm4b:s4+s18], $0x80, s25, s18, $0xb8;
	[tilespmem:$0x1D000] =	vst v63  }
0x3b: {  	p0 =	sne.s32 s24, $0x9E00;
	_ =	swait.ge [sflag:s19], $0x4000  }
.Ltmp0:
0x3c: {  	[sflag:s19] =	ssyncset.done $0x0;
	(pc) =	sbr.rel @p0 .LBB2_2-.Ltmp0, $4  }
0x3d: {  	s24 =	sadd.s32 $0x2800, s25;
	[sflag:s19] =	ssyncadd.s32 $0xFFFFC000  }
0x3e: {  	[spmem:s2] =	stream.indirect.scatter.add.f32 [tilespmem:s17], [sflag:$0x2], $0x80, s24, s18, $0xb8;
	[tilespmem:$0x1D000] =	vst v63  }
0x3f: {  	_ =	swait.ge [sflag:s15], $0x4000  }
0x40: {  	s24 =	smov.u32 s26;
	[sflag:s15] =	ssyncset.done $0x0  }
0x41: {  	s23 =	sshra.s32 s23, $0x2;
	[sflag:s15] =	ssyncadd.s32 $0xFFFFC000  }
0x42: {  	[tilespmem:s17], [sflag:$0x1] =	stream.indirect.gather [hbm4b:s4+s18], $0x80, s23, s18, $0xb8;
	[tilespmem:$0x1D000] =	vst v63  }
0x43: {  	_ =	swait.ge [sflag:s19], $0x4000  }
0x44: {  	[sflag:s19] =	ssyncset.done $0x0  }
0x45: {  	s23 =	sadd.s32 $0x2800, s23;
	[sflag:s19] =	ssyncadd.s32 $0xFFFFC000  }
0x46: {  	[spmem:s2] =	stream.indirect.scatter.add.f32 [tilespmem:s17], [sflag:$0x2], $0x80, s23, s18, $0xb8;
	[tilespmem:$0x1D000] =	vst v63  }
0x47: {  	_ =	swait.ge [sflag:s15], $0x4000  }
0x48: {  	s22 =	sadd.s32 $0x1, s22;
	[sflag:s15] =	ssyncset.done $0x0  }
0x49: {  	p0 =	sne.s32 s22, s14;
	[sflag:s15] =	ssyncadd.s32 $0xFFFFC000  }
.Ltmp1:
0x4a: {  	[bflag:$0x0] =	sbarrier.arrive $0xFFFF;
	(pc) =	sbr.rel @p0 .LBB2_1-.Ltmp1, $4  }
0x4b: {  	[hbm:s13], [sflag:s20] =	dma.local [spmem:s21], $0x2800  }
0x4c: {  	_ =	swait.ge [sflag:s15], $0x2800  }
0x4d: {  	[sflag:s15] =	ssyncset.done $0x0  }
0x4e: {  	[sflag:s15] =	ssyncadd.s32 $0xFFFFD800  }
0x4f: {  	_ =	sfence.sel $0x180000  }
0x50: {  	[bflag:$0x0] =	sbarrier.arrive $0xFFFF  }
0x51: {  	p0 =	sne.s32 s0, $0x0;
	_ =	strace $0x9000004A  }
0x52: {  	s0 =	sadd.s32 @!p0 $0x100000, s1;
	[bflag:$0x2] =	sbarrier.arrive $0xFFFF  }
0x53: {  	[sflag:s0] =	ssyncadd.tile.s32 @!p0 $0x1;
	_ =	shalt  }
.Lfunc_end2:
_tile_overlayer_lowered:
.L_overlay_start_2:
0x54: {  	(tag) =	ssettag $0x2  }
0x55: {  	s0 =	rddreg [dreg:$0x0];
	s2 =	stileid.u32  }
0x56: {  	s1 =	rddreg [dreg:$0x1];
	p0 =	sne.s32 s2, $0x0  }
0x57: {  	s3 =	rddreg [dreg:$0x2];
	[bflag:$0x3] =	sbarrier.arrive $0xFFFF;
	s2 =	simm.s32 @!p0 $0x1C02  }
0x58: {  	[timem:s3], [sflag:s2] =	dma.local @!p0 [hbm:s0], s1  }
0x59: {  	s0 =	simm.s32 @!p0 $0x2  }
0x5a: {  	_ =	swait.ge @!p0 [sflag:s0], s1  }
0x5b: {  	s1 =	ssub.s32 @!p0 $0x0, s1;
	[sflag:s0] =	ssyncset.done @!p0 $0x0  }
0x5c: {  	[sflag:s0] =	ssyncadd.s32 @!p0 s1  }
0x5d: {  	[bflag:$0x3] =	sbarrier.arrive $0xFFFF  }
0x5e: {  	_ =	shalt  }

// kernel: kernel.16.cloned.1.call-start
scs
__scs_entry_jumppad:
0x0: {  	(pc) =	sbr.rel $0x88, $3  }
0x1: {  	(tag) =	ssettag $0x0;
	lr =	simm.s32 $0x1  }
0x2: {  	[smem:$0x3F90] =	sst lr;
	_ =	strace $0xD0000000  }
0x3: {  	_ = 	snop  }
0x4: {  	_ = 	snop  }
0x5: {  	_ = 	snop  }
0x6: {  	_ = 	snop  }
0x7: {  	_ = 	snop  }
__scs_overlays_trampoline_lowered:
0x8: {  	[smem:$0x3F9F] =	sst s0  }
0x9: {  	[smem:$0x3FA0] =	sst s1  }
0xa: {  	[smem:$0x3FA1] =	sst s2  }
0xb: {  	[smem:$0x3FA2] =	sst s3  }
0xc: {  	[smem:$0x3FA3] =	sst s4  }
0xd: {  	[smem:$0x3FA4] =	sst s5  }
0xe: {  	[smem:$0x3FA5] =	sst s6  }
0xf: {  	[smem:$0x3FA6] =	sst s7  }
0x10: {  	[smem:$0x3FA7] =	sst s8  }
0x11: {  	[smem:$0x3FA8] =	sst s9;
	s0 =	simm.s32 @!p0 $0x0  }
0x12: {  	s1 =	sld [smem:$0x3F8E];
	s0 =	simm.s32 @p0 $0x1  }
0x13: {  	[smem:$0x3FA9] =	sst s0;
	s0 =	simm.s32 @!p1 $0x0  }
0x14: {  	s2 =	sld [smem:$0x3F8D];
	s0 =	simm.s32 @p1 $0x1  }
0x15: {  	[smem:$0x3FAA] =	sst s0;
	s0 =	simm.s32 @!p2 $0x0  }
0x16: {  	s3 =	sld [smem:$0x3FDB];
	s0 =	simm.s32 @p2 $0x1  }
0x17: {  	s4 =	simm.s32 $0x1BF5;
	[smem:$0x3FAC] =	sst s0  }
0x18: {  	s0 =	sld [smem:$0x3F8F];
	_ =	swait.ge [sflag:s4], $0x0  }
0x19: {  	s7 =	sld [smem:$0x3F90]  }
0x1a: {  	s8 =	sadd.s32 $0xFFFFE003, lr  }
0x1b: {  	s9 =	sadd.s32 $0xFFFFFEF7, lr;
	s5 =	simm.s32 $0xFFFFFFFF;
	p2 =	slt.u32 s8, $0xFFFFF086  }
0x1c: {  	p1 =	slt.u32 s9, $0xF7A;
	s5 =	simm.s32 @!p2 $0x0  }
0x1d: {  	s5 =	simm.s32 @p1 $0x1;
	p0 =	seq.s32 s7, s2  }
0x1e: {  	s7 =	smul.u32 @!p0 $0xF7A, s2;
	p2 =	seq.s32 @!p0 s5, $0x0  }
0x1f: {  	s9 =	smul.u32 $0xF7A, s1;
	s8 =	simm.s32 @!p0 $0x1BF5;
	p2 =	por !p2, p0  }
0x20: {  	[sflag:s8] =	ssyncset.s32 @!p0 $0xFFFFF086;
	s6 =	sadd.s32 @!p0 s3, s7;
	s7 =	simm.s32 @!p0 $0x108  }
0x21: {  	s3 =	sadd.s32 s3, s9;
	s6 =	sadd.s32 @!p0 $0x88, s6;
	s7 =	simm.s32 @p2 $0x1082  }
0x22: {  	[simem:s7], [sflag:s8] =	dma.local @!p0 [hbm:s6], $0xF7A  }
0x23: {  	s9 =	sor.u32 $0xD0000000, s2;
	s6 =	simm.s32 $0x108;
	_ =	swait.ge @!p0 [sflag:s8], $0x0  }
0x24: {  	s3 =	sadd.s32 $0x88, s3;
	s6 =	simm.s32 @!p1 $0x1082;
	[sflag:s4] =	ssyncset.s32 $0xFFFFF086  }
0x25: {  	[simem:s6], [sflag:s4] =	dma.local [hbm:s3], $0xF7A  }
0x26: {  	[smem:$0x3F90] =	sst s1;
	(tag) =	ssettag s2;
	_ =	strace s9  }
0x27: {  	s1 =	sld [smem:$0x3FA0]  }
0x28: {  	s2 =	sld [smem:$0x3FA1]  }
0x29: {  	s4 =	sld [smem:$0x3FA3]  }
0x2a: {  	p0 =	seq.s32 s5, $0x0;
	s5 =	sld [smem:$0x3FA4]  }
0x2b: {  	s6 =	sld [smem:$0x3FA5]  }
0x2c: {  	s7 =	sld [smem:$0x3FA6]  }
0x2d: {  	s3 =	simm.s32 $0x108;
	s8 =	sld [smem:$0x3FA7]  }
0x2e: {  	s3 =	simm.s32 @!p0 $0x1082;
	s9 =	sld [smem:$0x3FA8]  }
0x2f: {  	lr =	sadd.s32 s0, s3;
	s0 =	sld [smem:$0x3F9F]  }
0x30: {  	s3 =	sld [smem:$0x3FA2]  }
0x31: {  	[smem:$0x3FAB] =	sst s10  }
0x32: {  	s10 =	sld [smem:$0x3FA9];
	_ =	sdelay $0x3  }
0x33: {  	p0 =	seq.s32 s10, $0x1;
	s10 =	sld [smem:$0x3FAB];
	_ =	sdelay $0x3  }
0x34: {  	[smem:$0x3FAB] =	sst s10  }
0x35: {  	s10 =	sld [smem:$0x3FAA];
	_ =	sdelay $0x3  }
0x36: {  	p1 =	seq.s32 s10, $0x1;
	s10 =	sld [smem:$0x3FAB];
	_ =	sdelay $0x3  }
0x37: {  	[smem:$0x3FAB] =	sst s10  }
0x38: {  	s10 =	sld [smem:$0x3FAC]  }
0x39: {  	_ = 	snop;
	(pc) =	sbr.ind lr, $3  }
0x3a: {  	_ = 	snop  }
0x3b: {  	_ = 	snop  }
0x3c: {  	p2 =	seq.s32 s10, $0x1;
	s10 =	sld [smem:$0x3FAB]  }
0x3d: {  	_ =	shalt  }
0x3e: {  	_ =	shalt  }
0x3f: {  	_ =	shalt  }
0x40: {  	_ =	shalt  }
0x41: {  	_ =	shalt  }
0x42: {  	_ =	shalt  }
0x43: {  	_ =	shalt  }
0x44: {  	_ =	shalt  }
0x45: {  	_ =	shalt  }
0x46: {  	_ =	shalt  }
0x47: {  	_ =	shalt  }
0x48: {  	_ =	shalt  }
0x49: {  	_ =	shalt  }
0x4a: {  	_ =	shalt  }
0x4b: {  	_ =	shalt  }
0x4c: {  	_ =	shalt  }
0x4d: {  	_ =	shalt  }
0x4e: {  	_ =	shalt  }
0x4f: {  	_ =	shalt  }
0x50: {  	_ =	shalt  }
0x51: {  	_ =	shalt  }
0x52: {  	_ =	shalt  }
0x53: {  	_ =	shalt  }
0x54: {  	_ =	shalt  }
0x55: {  	_ =	shalt  }
0x56: {  	_ =	shalt  }
0x57: {  	_ =	shalt  }
0x58: {  	_ =	shalt  }
0x59: {  	_ =	shalt  }
0x5a: {  	_ =	shalt  }
0x5b: {  	_ =	shalt  }
0x5c: {  	_ =	shalt  }
0x5d: {  	_ =	shalt  }
0x5e: {  	_ =	shalt  }
0x5f: {  	_ =	shalt  }
0x60: {  	_ =	shalt  }
0x61: {  	_ =	shalt  }
0x62: {  	_ =	shalt  }
0x63: {  	_ =	shalt  }
0x64: {  	_ =	shalt  }
0x65: {  	_ =	shalt  }
0x66: {  	_ =	shalt  }
0x67: {  	_ =	shalt  }
0x68: {  	_ =	shalt  }
0x69: {  	_ =	shalt  }
0x6a: {  	_ =	shalt  }
0x6b: {  	_ =	shalt  }
0x6c: {  	_ =	shalt  }
0x6d: {  	_ =	shalt  }
0x6e: {  	_ =	shalt  }
0x6f: {  	_ =	shalt  }
0x70: {  	_ =	shalt  }
0x71: {  	_ =	shalt  }
0x72: {  	_ =	shalt  }
0x73: {  	_ =	shalt  }
0x74: {  	_ =	shalt  }
0x75: {  	_ =	shalt  }
0x76: {  	_ =	shalt  }
0x77: {  	_ =	shalt  }
0x78: {  	_ =	shalt  }
0x79: {  	_ =	shalt  }
0x7a: {  	_ =	shalt  }
0x7b: {  	_ =	shalt  }
0x7c: {  	_ =	shalt  }
0x7d: {  	_ =	shalt  }
0x7e: {  	_ =	shalt  }
0x7f: {  	_ =	shalt  }
0x80: {  	_ =	shalt  }
0x81: {  	_ =	shalt  }
0x82: {  	_ =	shalt  }
0x83: {  	_ =	shalt  }
0x84: {  	_ =	shalt  }
0x85: {  	_ =	shalt  }
0x86: {  	_ =	shalt  }
0x87: {  	_ =	shalt  }
.Lfunc_end0:
.L_simem_size_0:
called_computation.2_lowered:
.L_overlay_start_0:
0x88: {  	s2 =	sld [smem:$0x3FD9]  }
0x89: {  	s3 =	sld [smem:$0x3FFE];
	_ =	sdelay $0x1  }
0x8a: {  	s1 =	srdreg.scid  }
0x8b: {  	s0 =	sand.u32 $0x1, s1  }
0x8c: {  	s16 =	sshll.u32 s0, $0xA;
	s2 =	sadd.s32 s3, s2  }
0x8d: {  	s2 =	sadd.s32 s2, s16  }
0x8e: {  	[smem:$0x3FB7] =	sst s2  }
0x8f: {  	_ = 	snop  }
0x90: {  	(tm) =	ssettm $0x1  }
0x91: {  	s17 =	sld [smem:$0x3FFB];
	_ =	sdelay $0x3  }
0x92: {  	_ =	strace s17  }
0x93: {  	s2 =	sld [smem:$0x3FFC];
	_ =	sdelay $0x3  }
0x94: {  	_ =	strace s2  }
0x95: {  	s2 =	sld [smem:$0x3FFD];
	_ =	sdelay $0x3  }
0x96: {  	_ =	strace s2  }
0x97: {  	_ =	strace $0x8FFFFFFF  }
0x98: {  	s18 =	sld [smem:$0x3FDB];
	_ =	sdelay $0x1  }
0x99: {  	s19 =	simm.s32 $_scs_section_size  }
0x9a: {  	s4 =	simm.s32 $_size__tile_overlayer_lowered;
	s5 =	simm.s32 $_tile_overlayer_lowered  }
0x9b: {  	s22 =	simm.s32 $0x1BFF;
	s21 =	sshll.u32 s5, $0x1;
	s2 =	sadd.s32 s19, s18  }
0x9c: {  	s6 =	simm.s32 $0x0;
	s20 =	sshll.u32 s4, $0x1;
	s4 =	sadd.s32 s21, s2  }
0x9d: {  	[timem:s6], [sflag:s22] =	dma.local [hbm:s4], s20  }
0x9e: {  	_ =	swait.ge [sflag:s22], s20  }
0x9f: {  	s3 =	ssub.s32 $0x0, s20;
	[sflag:s22] =	ssyncset.done $0x0  }
0xa0: {  	[sflag:s22] =	ssyncadd.s32 s3;
	_ =	sdelay $0x1  }
0xa1: {  	s23 =	simm.s32 $0x1B8B  }
0xa2: {  	_ =	swait.ge [sflag:s23], $0x1  }
0xa3: {  	[sflag:s23] =	ssyncset.done $0x0  }
0xa4: {  	s25 =	simm.s32 $0x1B8E;
	s24 =	sld [smem:$0x3FFE];
	[sflag:s23] =	ssyncadd.s32 $0xFFFFFFFF  }
0xa5: {  	s26 =	simm.s32 $execute0_lowered;
	[smem:$0x3FD2] =	sst s25  }
0xa6: {  	s4 =	sshll.u32 s26, $0x1;
	_ =	strace $0x8000004C;
	[dreg:$0x1] =	wrdreg $0xFFFFFFFF  }
0xa7: {  	s28 =	simm.s32 $_size_execute0_lowered;
	s2 =	sadd.s32 s2, s4;
	[dreg:$0x0] =	wrdreg $0x0  }
0xa8: {  	s4 =	sshll.u32 s28, $0x1;
	[dreg:$0x2] =	wrdreg s2  }
0xa9: {  	[dreg:$0x3] =	wrdreg s4  }
0xaa: {  	[dreg:$0x4] =	wrdreg $0xC0  }
0xab: {  	_ =	task [dreg:s6], $0x5FFFF  }
0xac: {  	[dreg:$0x1] =	wrdreg $0xFFFFFFFF  }
0xad: {  	[dreg:$0x0] =	wrdreg $0x60  }
0xae: {  	[dreg:$0x2] =	wrdreg s24  }
0xaf: {  	[dreg:$0x3] =	wrdreg $0x90000  }
0xb0: {  	[dreg:$0x4] =	wrdreg $0x9  }
0xb1: {  	_ =	task.clear_ibuf [dreg:s6], $0x5FFFF;
	_ =	strace $0x9000004C  }
0xb2: {  	s29 =	simm.s32 $0x9;
	_ =	strace $0x8000004E  }
0xb3: {  	_ =	swait.ge [sflag:s29], $0x1  }
0xb4: {  	[sflag:s29] =	ssyncadd.s32 $0xFFFFFFFF  }
0xb5: {  	_ =	strace $0x9000004E  }
0xb6: {  	_ =	sfence  }
0xb7: {  	s30 =	sld [smem:$0x0];
	_ =	sdelay $0x2  }
0xb8: {  	s31 =	sshll.u32 s1, $0xD;
	s1 =	sshrl.u32 s1, $0x2  }
0xb9: {  	s3 =	sand.u32 $0x4000, s31;
	s1 =	sadd.s32 s1, s30  }
0xba: {  	s0 =	sor.u32 s3, s0;
	s1 =	sshll.u32 s1, $0x11  }
0xbb: {  	s0 =	sor.u32 s1, s0  }
0xbc: {  	s0 =	sadd.s32 $0x8F2B, s0  }
0xbd: {  	[sflag:s0] =	ssyncadd.remote.s32 $0x1  }
0xbe: {  	_ =	sfence.sel $0xFFFF  }
0xbf: {  	[dreg:$0x0] =	wrdreg $0xFFFFFFFF;
	(pc) =	sbr.abs _section_cstart, $3  }
0xc0: {  	[dreg:$0x1] =	wrdreg $0xFFFFFFFF  }
0xc1: {  	_ =	task.clear_ibuf [dreg:s6], $0x2FFFF;
	_ =	strace $0x9FFFFFFF  }
0xc2: {  	(tm) =	ssettm $0x7FFFFFFF  }
0xc3: {  	_ =	shalt  }
tec
execute0_lowered:
.L_overlay_start_1:
0x0: {  	(tag) =	ssettag $0x1  }
0x1: {  	s1 =	srdreg.scid;
	s6 =	rddreg [dreg:$0x0]  }
0x2: {  	s0 =	stileid.u32;
	s2 =	rddreg [dreg:$0x1]  }
0x3: {  	s3 =	simm.s32 $0x0;
	s15 =	simm.s32 $0x2;
	s16 =	simm.s32 $0x2800  }
0x4: {  	s17 =	simm.s32 $0x5000;
	s18 =	simm.s32 $0x80;
	s19 =	simm.s32 $0x1  }
0x5: {  	s22 =	simm.s32 $0x0;
	s5 =	sand.u32 $0x1, s1;
	s29 =	sshll.u32 s0, $0x1  }
0x6: {  	[smem:$0x7FF] =	sst s3;
	s9 =	smul.u32 $0x14000, s0;
	s4 =	sadd.s32 $0x69A00, s6  }
0x7: {  	s10 =	smul.u32 $0x50000, s0;
	s20 =	sshll.u32 s0, $0x6;
	s1 =	sor.u32 s5, s29  }
0x8: {  	s8 =	smul.u32 $0x140000, s5;
	s30 =	ssub.s32 $0x2, s5;
	s5 =	sadd.s32 $0xEA00, s6  }
0x9: {  	s20 =	sor.u32 $0x1C02, s20;
	s7 =	smul.u32 $0x500, s1;
	s1 =	rddreg [dreg:$0x2]  }
0xa: {  	_ =	strace $0x8000004D;
	s11 =	sshrl.u32 s30, $0x1;
	s8 =	sadd.s32 s9, s8  }
0xb: {  	s31 =	sshrl.u32 s10, $0x2;
	s14 =	ssub.s32 s30, s11;
	s8 =	sshrl.u32 s8, $0x3  }
0xc: {  	s7 =	sadd.s32 s7, s6;
	s14 =	smax.u32 s14, $0x1;
	s13 =	sadd.s32 s8, s6  }
0xd: {  	s6 =	sadd.s32 $0x5FA00, s7;
	s7 =	sadd.s32 $0x4A00, s7;
	s8 =	sadd.s32 s31, s2  }
0xe: {  	s9 =	sadd.s32 $0x4000, s8;
	s10 =	sadd.s32 $0x8000, s8;
	s11 =	sadd.s32 $0xC000, s8  }
0xf: {  	s12 =	sadd.s32 $0x10000, s8;
	s13 =	sadd.s32 $0x90C00, s13;
	s21 =	sshrl.u32 s8, $0x3  }
.LBB2_1:
0x10: {  	[tilespmem:s3], [sflag:$0x2] =	stream.linear.gather [hbm4b:s6+s3], $0x2800, $0x38;
	[tilespmem:$0x1D000] =	vst v63  }
0x11: {  	_ =	swait.ge [sflag:s15], $0x2800  }
0x12: {  	[sflag:s15] =	ssyncset.done $0x0  }
0x13: {  	[sflag:s15] =	ssyncadd.s32 $0xFFFFD800  }
0x14: {  	[tilespmem:s16], [sflag:$0x2] =	stream.linear.gather [hbm4b:s7+s3], $0x2800, $0x38;
	[tilespmem:$0x1D000] =	vst v63  }
0x15: {  	_ =	swait.ge [sflag:s15], $0x2800  }
0x16: {  	[sflag:s15] =	ssyncset.done $0x0  }
0x17: {  	[sflag:s15] =	ssyncadd.s32 $0xFFFFD800  }
0x18: {  	[tilespmem:s17], [sflag:$0x2] =	stream.linear.gather [hbm4b:s5+s3], $0x4000, $0x38;
	[tilespmem:$0x1D000] =	vst v63  }
0x19: {  	_ =	swait.ge [sflag:s15], $0x4000  }
0x1a: {  	[sflag:s15] =	ssyncset.done $0x0  }
0x1b: {  	[sflag:s15] =	ssyncadd.s32 $0xFFFFC000  }
0x1c: {  	[spmem:s8] =	stream.linear.scatter [tilespmem:s17], [sflag:$0x2], $0x4000, $0x38;
	[tilespmem:$0x1D000] =	vst v63  }
0x1d: {  	_ =	swait.ge [sflag:s15], $0x4000  }
0x1e: {  	[sflag:s15] =	ssyncset.done $0x0  }
0x1f: {  	[sflag:s15] =	ssyncadd.s32 $0xFFFFC000  }
0x20: {  	[spmem:s9] =	stream.linear.scatter [tilespmem:s17], [sflag:$0x2], $0x4000, $0x38;
	[tilespmem:$0x1D000] =	vst v63  }
0x21: {  	_ =	swait.ge [sflag:s15], $0x4000  }
0x22: {  	[sflag:s15] =	ssyncset.done $0x0  }
0x23: {  	[sflag:s15] =	ssyncadd.s32 $0xFFFFC000  }
0x24: {  	[spmem:s10] =	stream.linear.scatter [tilespmem:s17], [sflag:$0x2], $0x4000, $0x38;
	[tilespmem:$0x1D000] =	vst v63  }
0x25: {  	_ =	swait.ge [sflag:s15], $0x4000  }
0x26: {  	[sflag:s15] =	ssyncset.done $0x0  }
0x27: {  	[sflag:s15] =	ssyncadd.s32 $0xFFFFC000  }
0x28: {  	[spmem:s11] =	stream.linear.scatter [tilespmem:s17], [sflag:$0x2], $0x4000, $0x38;
	[tilespmem:$0x1D000] =	vst v63  }
0x29: {  	_ =	swait.ge [sflag:s15], $0x4000  }
0x2a: {  	[sflag:s15] =	ssyncset.done $0x0  }
0x2b: {  	[sflag:s15] =	ssyncadd.s32 $0xFFFFC000  }
0x2c: {  	[spmem:s12] =	stream.linear.scatter [tilespmem:s17], [sflag:$0x2], $0x4000, $0x38;
	[tilespmem:$0x1D000] =	vst v63  }
0x2d: {  	_ =	swait.ge [sflag:s15], $0x4000  }
0x2e: {  	[sflag:s15] =	ssyncset.done $0x0  }
0x2f: {  	[sflag:s15] =	ssyncadd.s32 $0xFFFFC000  }
0x30: {  	s23 =	simm.s32 $0x0;
	[bflag:$0x0] =	sbarrier.arrive $0xFFFF  }
0x31: {  	[tilespmem:s17], [sflag:$0x1] =	stream.indirect.gather [hbm4b:s4+s18], $0x80, s23, s18, $0xb8;
	[tilespmem:$0x1D000] =	vst v63  }
0x32: {  	_ =	swait.ge [sflag:s19], $0x4000  }
0x33: {  	[sflag:s19] =	ssyncset.done $0x0  }
0x34: {  	s31 =	simm.s32 $0x2800;
	[sflag:s19] =	ssyncadd.s32 $0xFFFFC000  }
0x35: {  	[spmem:s2] =	stream.indirect.scatter.add.f32 [tilespmem:s17], [sflag:$0x2], $0x80, s31, s18, $0xb8;
	[tilespmem:$0x1D000] =	vst v63  }
0x36: {  	_ =	swait.ge [sflag:s15], $0x4000  }
0x37: {  	s24 =	simm.s32 $0x400;
	s23 =	simm.s32 $0x200;
	[sflag:s15] =	ssyncset.done $0x0  }
.LBB2_2:
0x38: {  	s25 =	sshra.s32 s23, $0x2  }
0x39: {  	[sflag:s15] =	ssyncadd.s32 $0xFFFFC000;
	s23 =	smov.u32 s24;
	s26 =	sadd.s32 $0x200, s24  }
0x3a: {  	[tilespmem:s17], [sflag:$0x1] =	stream.indirect.gather [hbm4b:s4+s18], $0x80, s25, s18, $0xb8;
	[tilespmem:$0x1D000] =	vst v63  }
0x3b: {  	p0 =	sne.s32 s24, $0x9E00;
	_ =	swait.ge [sflag:s19], $0x4000  }
.Ltmp0:
0x3c: {  	[sflag:s19] =	ssyncset.done $0x0;
	(pc) =	sbr.rel @p0 .LBB2_2-.Ltmp0, $4  }
0x3d: {  	s24 =	sadd.s32 $0x2800, s25;
	[sflag:s19] =	ssyncadd.s32 $0xFFFFC000  }
0x3e: {  	[spmem:s2] =	stream.indirect.scatter.add.f32 [tilespmem:s17], [sflag:$0x2], $0x80, s24, s18, $0xb8;
	[tilespmem:$0x1D000] =	vst v63  }
0x3f: {  	_ =	swait.ge [sflag:s15], $0x4000  }
0x40: {  	s24 =	smov.u32 s26;
	[sflag:s15] =	ssyncset.done $0x0  }
0x41: {  	s23 =	sshra.s32 s23, $0x2;
	[sflag:s15] =	ssyncadd.s32 $0xFFFFC000  }
0x42: {  	[tilespmem:s17], [sflag:$0x1] =	stream.indirect.gather [hbm4b:s4+s18], $0x80, s23, s18, $0xb8;
	[tilespmem:$0x1D000] =	vst v63  }
0x43: {  	_ =	swait.ge [sflag:s19], $0x4000  }
0x44: {  	[sflag:s19] =	ssyncset.done $0x0  }
0x45: {  	s23 =	sadd.s32 $0x2800, s23;
	[sflag:s19] =	ssyncadd.s32 $0xFFFFC000  }
0x46: {  	[spmem:s2] =	stream.indirect.scatter.add.f32 [tilespmem:s17], [sflag:$0x2], $0x80, s23, s18, $0xb8;
	[tilespmem:$0x1D000] =	vst v63  }
0x47: {  	_ =	swait.ge [sflag:s15], $0x4000  }
0x48: {  	s22 =	sadd.s32 $0x1, s22;
	[sflag:s15] =	ssyncset.done $0x0  }
0x49: {  	p0 =	sne.s32 s22, s14;
	[sflag:s15] =	ssyncadd.s32 $0xFFFFC000  }
.Ltmp1:
0x4a: {  	[bflag:$0x0] =	sbarrier.arrive $0xFFFF;
	(pc) =	sbr.rel @p0 .LBB2_1-.Ltmp1, $4  }
0x4b: {  	[hbm:s13], [sflag:s20] =	dma.local [spmem:s21], $0x2800  }
0x4c: {  	_ =	swait.ge [sflag:s15], $0x2800  }
0x4d: {  	[sflag:s15] =	ssyncset.done $0x0  }
0x4e: {  	[sflag:s15] =	ssyncadd.s32 $0xFFFFD800  }
0x4f: {  	_ =	sfence.sel $0x180000  }
0x50: {  	[bflag:$0x0] =	sbarrier.arrive $0xFFFF  }
0x51: {  	p0 =	sne.s32 s0, $0x0;
	_ =	strace $0x9000004D  }
0x52: {  	s0 =	sadd.s32 @!p0 $0x100000, s1;
	[bflag:$0x2] =	sbarrier.arrive $0xFFFF  }
0x53: {  	[sflag:s0] =	ssyncadd.tile.s32 @!p0 $0x1;
	_ =	shalt  }
.Lfunc_end2:
_tile_overlayer_lowered:
.L_overlay_start_2:
0x54: {  	(tag) =	ssettag $0x2  }
0x55: {  	s0 =	rddreg [dreg:$0x0];
	s2 =	stileid.u32  }
0x56: {  	s1 =	rddreg [dreg:$0x1];
	p0 =	sne.s32 s2, $0x0  }
0x57: {  	s3 =	rddreg [dreg:$0x2];
	[bflag:$0x3] =	sbarrier.arrive $0xFFFF;
	s2 =	simm.s32 @!p0 $0x1C02  }
0x58: {  	[timem:s3], [sflag:s2] =	dma.local @!p0 [hbm:s0], s1  }
0x59: {  	s0 =	simm.s32 @!p0 $0x2  }
0x5a: {  	_ =	swait.ge @!p0 [sflag:s0], s1  }
0x5b: {  	s1 =	ssub.s32 @!p0 $0x0, s1;
	[sflag:s0] =	ssyncset.done @!p0 $0x0  }
0x5c: {  	[sflag:s0] =	ssyncadd.s32 @!p0 s1  }
0x5d: {  	[bflag:$0x3] =	sbarrier.arrive $0xFFFF  }
0x5e: {  	_ =	shalt  }

// kernel: kernel.19.cloned.1.call-start
scs
__scs_entry_jumppad:
0x0: {  	(pc) =	sbr.rel $0x88, $3  }
0x1: {  	(tag) =	ssettag $0x0;
	lr =	simm.s32 $0x1  }
0x2: {  	[smem:$0x3F90] =	sst lr;
	_ =	strace $0xD0000000  }
0x3: {  	_ = 	snop  }
0x4: {  	_ = 	snop  }
0x5: {  	_ = 	snop  }
0x6: {  	_ = 	snop  }
0x7: {  	_ = 	snop  }
__scs_overlays_trampoline_lowered:
0x8: {  	[smem:$0x3F9F] =	sst s0  }
0x9: {  	[smem:$0x3FA0] =	sst s1  }
0xa: {  	[smem:$0x3FA1] =	sst s2  }
0xb: {  	[smem:$0x3FA2] =	sst s3  }
0xc: {  	[smem:$0x3FA3] =	sst s4  }
0xd: {  	[smem:$0x3FA4] =	sst s5  }
0xe: {  	[smem:$0x3FA5] =	sst s6  }
0xf: {  	[smem:$0x3FA6] =	sst s7  }
0x10: {  	[smem:$0x3FA7] =	sst s8  }
0x11: {  	[smem:$0x3FA8] =	sst s9;
	s0 =	simm.s32 @!p0 $0x0  }
0x12: {  	s1 =	sld [smem:$0x3F8E];
	s0 =	simm.s32 @p0 $0x1  }
0x13: {  	[smem:$0x3FA9] =	sst s0;
	s0 =	simm.s32 @!p1 $0x0  }
0x14: {  	s2 =	sld [smem:$0x3F8D];
	s0 =	simm.s32 @p1 $0x1  }
0x15: {  	[smem:$0x3FAA] =	sst s0;
	s0 =	simm.s32 @!p2 $0x0  }
0x16: {  	s3 =	sld [smem:$0x3FDB];
	s0 =	simm.s32 @p2 $0x1  }
0x17: {  	s4 =	simm.s32 $0x1BF5;
	[smem:$0x3FAC] =	sst s0  }
0x18: {  	s0 =	sld [smem:$0x3F8F];
	_ =	swait.ge [sflag:s4], $0x0  }
0x19: {  	s7 =	sld [smem:$0x3F90]  }
0x1a: {  	s8 =	sadd.s32 $0xFFFFE003, lr  }
0x1b: {  	s9 =	sadd.s32 $0xFFFFFEF7, lr;
	s5 =	simm.s32 $0xFFFFFFFF;
	p2 =	slt.u32 s8, $0xFFFFF086  }
0x1c: {  	p1 =	slt.u32 s9, $0xF7A;
	s5 =	simm.s32 @!p2 $0x0  }
0x1d: {  	s5 =	simm.s32 @p1 $0x1;
	p0 =	seq.s32 s7, s2  }
0x1e: {  	s7 =	smul.u32 @!p0 $0xF7A, s2;
	p2 =	seq.s32 @!p0 s5, $0x0  }
0x1f: {  	s9 =	smul.u32 $0xF7A, s1;
	s8 =	simm.s32 @!p0 $0x1BF5;
	p2 =	por !p2, p0  }
0x20: {  	[sflag:s8] =	ssyncset.s32 @!p0 $0xFFFFF086;
	s6 =	sadd.s32 @!p0 s3, s7;
	s7 =	simm.s32 @!p0 $0x108  }
0x21: {  	s3 =	sadd.s32 s3, s9;
	s6 =	sadd.s32 @!p0 $0x88, s6;
	s7 =	simm.s32 @p2 $0x1082  }
0x22: {  	[simem:s7], [sflag:s8] =	dma.local @!p0 [hbm:s6], $0xF7A  }
0x23: {  	s9 =	sor.u32 $0xD0000000, s2;
	s6 =	simm.s32 $0x108;
	_ =	swait.ge @!p0 [sflag:s8], $0x0  }
0x24: {  	s3 =	sadd.s32 $0x88, s3;
	s6 =	simm.s32 @!p1 $0x1082;
	[sflag:s4] =	ssyncset.s32 $0xFFFFF086  }
0x25: {  	[simem:s6], [sflag:s4] =	dma.local [hbm:s3], $0xF7A  }
0x26: {  	[smem:$0x3F90] =	sst s1;
	(tag) =	ssettag s2;
	_ =	strace s9  }
0x27: {  	s1 =	sld [smem:$0x3FA0]  }
0x28: {  	s2 =	sld [smem:$0x3FA1]  }
0x29: {  	s4 =	sld [smem:$0x3FA3]  }
0x2a: {  	p0 =	seq.s32 s5, $0x0;
	s5 =	sld [smem:$0x3FA4]  }
0x2b: {  	s6 =	sld [smem:$0x3FA5]  }
0x2c: {  	s7 =	sld [smem:$0x3FA6]  }
0x2d: {  	s3 =	simm.s32 $0x108;
	s8 =	sld [smem:$0x3FA7]  }
0x2e: {  	s3 =	simm.s32 @!p0 $0x1082;
	s9 =	sld [smem:$0x3FA8]  }
0x2f: {  	lr =	sadd.s32 s0, s3;
	s0 =	sld [smem:$0x3F9F]  }
0x30: {  	s3 =	sld [smem:$0x3FA2]  }
0x31: {  	[smem:$0x3FAB] =	sst s10  }
0x32: {  	s10 =	sld [smem:$0x3FA9];
	_ =	sdelay $0x3  }
0x33: {  	p0 =	seq.s32 s10, $0x1;
	s10 =	sld [smem:$0x3FAB];
	_ =	sdelay $0x3  }
0x34: {  	[smem:$0x3FAB] =	sst s10  }
0x35: {  	s10 =	sld [smem:$0x3FAA];
	_ =	sdelay $0x3  }
0x36: {  	p1 =	seq.s32 s10, $0x1;
	s10 =	sld [smem:$0x3FAB];
	_ =	sdelay $0x3  }
0x37: {  	[smem:$0x3FAB] =	sst s10  }
0x38: {  	s10 =	sld [smem:$0x3FAC]  }
0x39: {  	_ = 	snop;
	(pc) =	sbr.ind lr, $3  }
0x3a: {  	_ = 	snop  }
0x3b: {  	_ = 	snop  }
0x3c: {  	p2 =	seq.s32 s10, $0x1;
	s10 =	sld [smem:$0x3FAB]  }
0x3d: {  	_ =	shalt  }
0x3e: {  	_ =	shalt  }
0x3f: {  	_ =	shalt  }
0x40: {  	_ =	shalt  }
0x41: {  	_ =	shalt  }
0x42: {  	_ =	shalt  }
0x43: {  	_ =	shalt  }
0x44: {  	_ =	shalt  }
0x45: {  	_ =	shalt  }
0x46: {  	_ =	shalt  }
0x47: {  	_ =	shalt  }
0x48: {  	_ =	shalt  }
0x49: {  	_ =	shalt  }
0x4a: {  	_ =	shalt  }
0x4b: {  	_ =	shalt  }
0x4c: {  	_ =	shalt  }
0x4d: {  	_ =	shalt  }
0x4e: {  	_ =	shalt  }
0x4f: {  	_ =	shalt  }
0x50: {  	_ =	shalt  }
0x51: {  	_ =	shalt  }
0x52: {  	_ =	shalt  }
0x53: {  	_ =	shalt  }
0x54: {  	_ =	shalt  }
0x55: {  	_ =	shalt  }
0x56: {  	_ =	shalt  }
0x57: {  	_ =	shalt  }
0x58: {  	_ =	shalt  }
0x59: {  	_ =	shalt  }
0x5a: {  	_ =	shalt  }
0x5b: {  	_ =	shalt  }
0x5c: {  	_ =	shalt  }
0x5d: {  	_ =	shalt  }
0x5e: {  	_ =	shalt  }
0x5f: {  	_ =	shalt  }
0x60: {  	_ =	shalt  }
0x61: {  	_ =	shalt  }
0x62: {  	_ =	shalt  }
0x63: {  	_ =	shalt  }
0x64: {  	_ =	shalt  }
0x65: {  	_ =	shalt  }
0x66: {  	_ =	shalt  }
0x67: {  	_ =	shalt  }
0x68: {  	_ =	shalt  }
0x69: {  	_ =	shalt  }
0x6a: {  	_ =	shalt  }
0x6b: {  	_ =	shalt  }
0x6c: {  	_ =	shalt  }
0x6d: {  	_ =	shalt  }
0x6e: {  	_ =	shalt  }
0x6f: {  	_ =	shalt  }
0x70: {  	_ =	shalt  }
0x71: {  	_ =	shalt  }
0x72: {  	_ =	shalt  }
0x73: {  	_ =	shalt  }
0x74: {  	_ =	shalt  }
0x75: {  	_ =	shalt  }
0x76: {  	_ =	shalt  }
0x77: {  	_ =	shalt  }
0x78: {  	_ =	shalt  }
0x79: {  	_ =	shalt  }
0x7a: {  	_ =	shalt  }
0x7b: {  	_ =	shalt  }
0x7c: {  	_ =	shalt  }
0x7d: {  	_ =	shalt  }
0x7e: {  	_ =	shalt  }
0x7f: {  	_ =	shalt  }
0x80: {  	_ =	shalt  }
0x81: {  	_ =	shalt  }
0x82: {  	_ =	shalt  }
0x83: {  	_ =	shalt  }
0x84: {  	_ =	shalt  }
0x85: {  	_ =	shalt  }
0x86: {  	_ =	shalt  }
0x87: {  	_ =	shalt  }
.Lfunc_end0:
.L_simem_size_0:
called_computation.3_lowered:
.L_overlay_start_0:
0x88: {  	s2 =	sld [smem:$0x3FD9]  }
0x89: {  	s3 =	sld [smem:$0x3FFE];
	_ =	sdelay $0x1  }
0x8a: {  	s1 =	srdreg.scid  }
0x8b: {  	s0 =	sand.u32 $0x1, s1  }
0x8c: {  	s16 =	sshll.u32 s0, $0xA;
	s2 =	sadd.s32 s3, s2  }
0x8d: {  	s2 =	sadd.s32 s2, s16  }
0x8e: {  	[smem:$0x3FB7] =	sst s2  }
0x8f: {  	_ = 	snop  }
0x90: {  	(tm) =	ssettm $0x1  }
0x91: {  	s17 =	sld [smem:$0x3FFB];
	_ =	sdelay $0x3  }
0x92: {  	_ =	strace s17  }
0x93: {  	s2 =	sld [smem:$0x3FFC];
	_ =	sdelay $0x3  }
0x94: {  	_ =	strace s2  }
0x95: {  	s2 =	sld [smem:$0x3FFD];
	_ =	sdelay $0x3  }
0x96: {  	_ =	strace s2  }
0x97: {  	_ =	strace $0x8FFFFFFF  }
0x98: {  	s18 =	sld [smem:$0x3FDB];
	_ =	sdelay $0x1  }
0x99: {  	s19 =	simm.s32 $_scs_section_size  }
0x9a: {  	s4 =	simm.s32 $_size__tile_overlayer_lowered;
	s5 =	simm.s32 $_tile_overlayer_lowered  }
0x9b: {  	s22 =	simm.s32 $0x1BFF;
	s21 =	sshll.u32 s5, $0x1;
	s2 =	sadd.s32 s19, s18  }
0x9c: {  	s6 =	simm.s32 $0x0;
	s20 =	sshll.u32 s4, $0x1;
	s4 =	sadd.s32 s21, s2  }
0x9d: {  	[timem:s6], [sflag:s22] =	dma.local [hbm:s4], s20  }
0x9e: {  	_ =	swait.ge [sflag:s22], s20  }
0x9f: {  	s3 =	ssub.s32 $0x0, s20;
	[sflag:s22] =	ssyncset.done $0x0  }
0xa0: {  	[sflag:s22] =	ssyncadd.s32 s3;
	_ =	sdelay $0x1  }
0xa1: {  	s23 =	simm.s32 $0x1B8B  }
0xa2: {  	_ =	swait.ge [sflag:s23], $0x1  }
0xa3: {  	[sflag:s23] =	ssyncset.done $0x0  }
0xa4: {  	s25 =	simm.s32 $0x1B8E;
	s24 =	sld [smem:$0x3FFE];
	[sflag:s23] =	ssyncadd.s32 $0xFFFFFFFF  }
0xa5: {  	s26 =	simm.s32 $execute0_lowered;
	[smem:$0x3FD2] =	sst s25  }
0xa6: {  	s4 =	sshll.u32 s26, $0x1;
	_ =	strace $0x8000004F;
	[dreg:$0x1] =	wrdreg $0xFFFFFFFF  }
0xa7: {  	s28 =	simm.s32 $_size_execute0_lowered;
	s2 =	sadd.s32 s2, s4;
	[dreg:$0x0] =	wrdreg $0x0  }
0xa8: {  	s4 =	sshll.u32 s28, $0x1;
	[dreg:$0x2] =	wrdreg s2  }
0xa9: {  	[dreg:$0x3] =	wrdreg s4  }
0xaa: {  	[dreg:$0x4] =	wrdreg $0xC0  }
0xab: {  	_ =	task [dreg:s6], $0x5FFFF  }
0xac: {  	[dreg:$0x1] =	wrdreg $0xFFFFFFFF  }
0xad: {  	[dreg:$0x0] =	wrdreg $0x60  }
0xae: {  	[dreg:$0x2] =	wrdreg s24  }
0xaf: {  	[dreg:$0x3] =	wrdreg $0x90000  }
0xb0: {  	[dreg:$0x4] =	wrdreg $0x9  }
0xb1: {  	_ =	task.clear_ibuf [dreg:s6], $0x5FFFF;
	_ =	strace $0x9000004F  }
0xb2: {  	s29 =	simm.s32 $0x9;
	_ =	strace $0x80000051  }
0xb3: {  	_ =	swait.ge [sflag:s29], $0x1  }
0xb4: {  	[sflag:s29] =	ssyncadd.s32 $0xFFFFFFFF  }
0xb5: {  	_ =	strace $0x90000051  }
0xb6: {  	_ =	sfence  }
0xb7: {  	s30 =	sld [smem:$0x0];
	_ =	sdelay $0x2  }
0xb8: {  	s31 =	sshll.u32 s1, $0xD;
	s1 =	sshrl.u32 s1, $0x2  }
0xb9: {  	s3 =	sand.u32 $0x4000, s31;
	s1 =	sadd.s32 s1, s30  }
0xba: {  	s0 =	sor.u32 s3, s0;
	s1 =	sshll.u32 s1, $0x11  }
0xbb: {  	s0 =	sor.u32 s1, s0  }
0xbc: {  	s0 =	sadd.s32 $0x8F2B, s0  }
0xbd: {  	[sflag:s0] =	ssyncadd.remote.s32 $0x1  }
0xbe: {  	_ =	sfence.sel $0xFFFF  }
0xbf: {  	[dreg:$0x0] =	wrdreg $0xFFFFFFFF;
	(pc) =	sbr.abs _section_cstart, $3  }
0xc0: {  	[dreg:$0x1] =	wrdreg $0xFFFFFFFF  }
0xc1: {  	_ =	task.clear_ibuf [dreg:s6], $0x2FFFF;
	_ =	strace $0x9FFFFFFF  }
0xc2: {  	(tm) =	ssettm $0x7FFFFFFF  }
0xc3: {  	_ =	shalt  }
tec
execute0_lowered:
.L_overlay_start_1:
0x0: {  	(tag) =	ssettag $0x1  }
0x1: {  	s1 =	srdreg.scid;
	s6 =	rddreg [dreg:$0x0]  }
0x2: {  	s0 =	stileid.u32;
	s2 =	rddreg [dreg:$0x1]  }
0x3: {  	s3 =	simm.s32 $0x0;
	s15 =	simm.s32 $0x2;
	s16 =	simm.s32 $0x2800  }
0x4: {  	s17 =	simm.s32 $0x5000;
	s18 =	simm.s32 $0x80;
	s19 =	simm.s32 $0x1  }
0x5: {  	s22 =	simm.s32 $0x0;
	s5 =	sand.u32 $0x1, s1;
	s29 =	sshll.u32 s0, $0x1  }
0x6: {  	[smem:$0x7FF] =	sst s3;
	s9 =	smul.u32 $0x14000, s0;
	s4 =	sadd.s32 $0x69A00, s6  }
0x7: {  	s10 =	smul.u32 $0x50000, s0;
	s20 =	sshll.u32 s0, $0x6;
	s1 =	sor.u32 s5, s29  }
0x8: {  	s8 =	smul.u32 $0x140000, s5;
	s30 =	ssub.s32 $0x2, s5;
	s5 =	sadd.s32 $0xEA00, s6  }
0x9: {  	s20 =	sor.u32 $0x1C02, s20;
	s7 =	smul.u32 $0x500, s1;
	s1 =	rddreg [dreg:$0x2]  }
0xa: {  	_ =	strace $0x80000050;
	s11 =	sshrl.u32 s30, $0x1;
	s8 =	sadd.s32 s9, s8  }
0xb: {  	s31 =	sshrl.u32 s10, $0x2;
	s14 =	ssub.s32 s30, s11;
	s8 =	sshrl.u32 s8, $0x3  }
0xc: {  	s7 =	sadd.s32 s7, s6;
	s14 =	smax.u32 s14, $0x1;
	s13 =	sadd.s32 s8, s6  }
0xd: {  	s6 =	sadd.s32 $0x5FA00, s7;
	s7 =	sadd.s32 $0x4A00, s7;
	s8 =	sadd.s32 s31, s2  }
0xe: {  	s9 =	sadd.s32 $0x4000, s8;
	s10 =	sadd.s32 $0x8000, s8;
	s11 =	sadd.s32 $0xC000, s8  }
0xf: {  	s12 =	sadd.s32 $0x10000, s8;
	s13 =	sadd.s32 $0x90C00, s13;
	s21 =	sshrl.u32 s8, $0x3  }
.LBB2_1:
0x10: {  	[tilespmem:s3], [sflag:$0x2] =	stream.linear.gather [hbm4b:s6+s3], $0x2800, $0x38;
	[tilespmem:$0x1D000] =	vst v63  }
0x11: {  	_ =	swait.ge [sflag:s15], $0x2800  }
0x12: {  	[sflag:s15] =	ssyncset.done $0x0  }
0x13: {  	[sflag:s15] =	ssyncadd.s32 $0xFFFFD800  }
0x14: {  	[tilespmem:s16], [sflag:$0x2] =	stream.linear.gather [hbm4b:s7+s3], $0x2800, $0x38;
	[tilespmem:$0x1D000] =	vst v63  }
0x15: {  	_ =	swait.ge [sflag:s15], $0x2800  }
0x16: {  	[sflag:s15] =	ssyncset.done $0x0  }
0x17: {  	[sflag:s15] =	ssyncadd.s32 $0xFFFFD800  }
0x18: {  	[tilespmem:s17], [sflag:$0x2] =	stream.linear.gather [hbm4b:s5+s3], $0x4000, $0x38;
	[tilespmem:$0x1D000] =	vst v63  }
0x19: {  	_ =	swait.ge [sflag:s15], $0x4000  }
0x1a: {  	[sflag:s15] =	ssyncset.done $0x0  }
0x1b: {  	[sflag:s15] =	ssyncadd.s32 $0xFFFFC000  }
0x1c: {  	[spmem:s8] =	stream.linear.scatter [tilespmem:s17], [sflag:$0x2], $0x4000, $0x38;
	[tilespmem:$0x1D000] =	vst v63  }
0x1d: {  	_ =	swait.ge [sflag:s15], $0x4000  }
0x1e: {  	[sflag:s15] =	ssyncset.done $0x0  }
0x1f: {  	[sflag:s15] =	ssyncadd.s32 $0xFFFFC000  }
0x20: {  	[spmem:s9] =	stream.linear.scatter [tilespmem:s17], [sflag:$0x2], $0x4000, $0x38;
	[tilespmem:$0x1D000] =	vst v63  }
0x21: {  	_ =	swait.ge [sflag:s15], $0x4000  }
0x22: {  	[sflag:s15] =	ssyncset.done $0x0  }
0x23: {  	[sflag:s15] =	ssyncadd.s32 $0xFFFFC000  }
0x24: {  	[spmem:s10] =	stream.linear.scatter [tilespmem:s17], [sflag:$0x2], $0x4000, $0x38;
	[tilespmem:$0x1D000] =	vst v63  }
0x25: {  	_ =	swait.ge [sflag:s15], $0x4000  }
0x26: {  	[sflag:s15] =	ssyncset.done $0x0  }
0x27: {  	[sflag:s15] =	ssyncadd.s32 $0xFFFFC000  }
0x28: {  	[spmem:s11] =	stream.linear.scatter [tilespmem:s17], [sflag:$0x2], $0x4000, $0x38;
	[tilespmem:$0x1D000] =	vst v63  }
0x29: {  	_ =	swait.ge [sflag:s15], $0x4000  }
0x2a: {  	[sflag:s15] =	ssyncset.done $0x0  }
0x2b: {  	[sflag:s15] =	ssyncadd.s32 $0xFFFFC000  }
0x2c: {  	[spmem:s12] =	stream.linear.scatter [tilespmem:s17], [sflag:$0x2], $0x4000, $0x38;
	[tilespmem:$0x1D000] =	vst v63  }
0x2d: {  	_ =	swait.ge [sflag:s15], $0x4000  }
0x2e: {  	[sflag:s15] =	ssyncset.done $0x0  }
0x2f: {  	[sflag:s15] =	ssyncadd.s32 $0xFFFFC000  }
0x30: {  	s23 =	simm.s32 $0x0;
	[bflag:$0x0] =	sbarrier.arrive $0xFFFF  }
0x31: {  	[tilespmem:s17], [sflag:$0x1] =	stream.indirect.gather [hbm4b:s4+s18], $0x80, s23, s18, $0xb8;
	[tilespmem:$0x1D000] =	vst v63  }
0x32: {  	_ =	swait.ge [sflag:s19], $0x4000  }
0x33: {  	[sflag:s19] =	ssyncset.done $0x0  }
0x34: {  	s31 =	simm.s32 $0x2800;
	[sflag:s19] =	ssyncadd.s32 $0xFFFFC000  }
0x35: {  	[spmem:s2] =	stream.indirect.scatter.add.f32 [tilespmem:s17], [sflag:$0x2], $0x80, s31, s18, $0xb8;
	[tilespmem:$0x1D000] =	vst v63  }
0x36: {  	_ =	swait.ge [sflag:s15], $0x4000  }
0x37: {  	s24 =	simm.s32 $0x400;
	s23 =	simm.s32 $0x200;
	[sflag:s15] =	ssyncset.done $0x0  }
.LBB2_2:
0x38: {  	s25 =	sshra.s32 s23, $0x2  }
0x39: {  	[sflag:s15] =	ssyncadd.s32 $0xFFFFC000;
	s23 =	smov.u32 s24;
	s26 =	sadd.s32 $0x200, s24  }
0x3a: {  	[tilespmem:s17], [sflag:$0x1] =	stream.indirect.gather [hbm4b:s4+s18], $0x80, s25, s18, $0xb8;
	[tilespmem:$0x1D000] =	vst v63  }
0x3b: {  	p0 =	sne.s32 s24, $0x9E00;
	_ =	swait.ge [sflag:s19], $0x4000  }
.Ltmp0:
0x3c: {  	[sflag:s19] =	ssyncset.done $0x0;
	(pc) =	sbr.rel @p0 .LBB2_2-.Ltmp0, $4  }
0x3d: {  	s24 =	sadd.s32 $0x2800, s25;
	[sflag:s19] =	ssyncadd.s32 $0xFFFFC000  }
0x3e: {  	[spmem:s2] =	stream.indirect.scatter.add.f32 [tilespmem:s17], [sflag:$0x2], $0x80, s24, s18, $0xb8;
	[tilespmem:$0x1D000] =	vst v63  }
0x3f: {  	_ =	swait.ge [sflag:s15], $0x4000  }
0x40: {  	s24 =	smov.u32 s26;
	[sflag:s15] =	ssyncset.done $0x0  }
0x41: {  	s23 =	sshra.s32 s23, $0x2;
	[sflag:s15] =	ssyncadd.s32 $0xFFFFC000  }
0x42: {  	[tilespmem:s17], [sflag:$0x1] =	stream.indirect.gather [hbm4b:s4+s18], $0x80, s23, s18, $0xb8;
	[tilespmem:$0x1D000] =	vst v63  }
0x43: {  	_ =	swait.ge [sflag:s19], $0x4000  }
0x44: {  	[sflag:s19] =	ssyncset.done $0x0  }
0x45: {  	s23 =	sadd.s32 $0x2800, s23;
	[sflag:s19] =	ssyncadd.s32 $0xFFFFC000  }
0x46: {  	[spmem:s2] =	stream.indirect.scatter.add.f32 [tilespmem:s17], [sflag:$0x2], $0x80, s23, s18, $0xb8;
	[tilespmem:$0x1D000] =	vst v63  }
0x47: {  	_ =	swait.ge [sflag:s15], $0x4000  }
0x48: {  	s22 =	sadd.s32 $0x1, s22;
	[sflag:s15] =	ssyncset.done $0x0  }
0x49: {  	p0 =	sne.s32 s22, s14;
	[sflag:s15] =	ssyncadd.s32 $0xFFFFC000  }
.Ltmp1:
0x4a: {  	[bflag:$0x0] =	sbarrier.arrive $0xFFFF;
	(pc) =	sbr.rel @p0 .LBB2_1-.Ltmp1, $4  }
0x4b: {  	[hbm:s13], [sflag:s20] =	dma.local [spmem:s21], $0x2800  }
0x4c: {  	_ =	swait.ge [sflag:s15], $0x2800  }
0x4d: {  	[sflag:s15] =	ssyncset.done $0x0  }
0x4e: {  	[sflag:s15] =	ssyncadd.s32 $0xFFFFD800  }
0x4f: {  	_ =	sfence.sel $0x180000  }
0x50: {  	[bflag:$0x0] =	sbarrier.arrive $0xFFFF  }
0x51: {  	p0 =	sne.s32 s0, $0x0;
	_ =	strace $0x90000050  }
0x52: {  	s0 =	sadd.s32 @!p0 $0x100000, s1;
	[bflag:$0x2] =	sbarrier.arrive $0xFFFF  }
0x53: {  	[sflag:s0] =	ssyncadd.tile.s32 @!p0 $0x1;
	_ =	shalt  }
.Lfunc_end2:
_tile_overlayer_lowered:
.L_overlay_start_2:
0x54: {  	(tag) =	ssettag $0x2  }
0x55: {  	s0 =	rddreg [dreg:$0x0];
	s2 =	stileid.u32  }
0x56: {  	s1 =	rddreg [dreg:$0x1];
	p0 =	sne.s32 s2, $0x0  }
0x57: {  	s3 =	rddreg [dreg:$0x2];
	[bflag:$0x3] =	sbarrier.arrive $0xFFFF;
	s2 =	simm.s32 @!p0 $0x1C02  }
0x58: {  	[timem:s3], [sflag:s2] =	dma.local @!p0 [hbm:s0], s1  }
0x59: {  	s0 =	simm.s32 @!p0 $0x2  }
0x5a: {  	_ =	swait.ge @!p0 [sflag:s0], s1  }
0x5b: {  	s1 =	ssub.s32 @!p0 $0x0, s1;
	[sflag:s0] =	ssyncset.done @!p0 $0x0  }
0x5c: {  	[sflag:s0] =	ssyncadd.s32 @!p0 s1  }
0x5d: {  	[bflag:$0x3] =	sbarrier.arrive $0xFFFF  }
0x5e: {  	_ =	shalt  }

</sc_bundles>
